<compile_context>
chip_gen: v7x
topology: tpu7x:2x2x1
jax: 0.10.2.dev20260603
libtpu: 0.0.44.dev20260713+nightly
codegen_flags: <defaults>
</compile_context>

<pallas_src>
import functools

import jax
import jax.numpy as jnp
from jax import lax
from jax.experimental import pallas as pl
from jax.experimental.pallas import tpu as pltpu
from jax.experimental.pallas import tpu_sc as plsc

B = 1024
D = 128
V = 100000
K = 8
T = 12
VT = 2048
NT = (V + VT - 1) // VT

_NEG_INF = float("-inf")
_BIG_I32 = 2**31 - 1


def _gather_rows(table, idx, n):
    info = plsc.get_sparse_core_info()
    nw = info.num_cores * info.num_subcores
    assert n % (8 * nw) == 0
    b_per_w = n // nw
    mesh = plsc.VectorSubcoreMesh(core_axis_name="c", subcore_axis_name="s")

    @functools.partial(
        pl.kernel,
        mesh=mesh,
        out_type=jax.ShapeDtypeStruct((n, D), jnp.float32),
        scratch_types=[
            pltpu.VMEM((b_per_w,), jnp.int32),
            pltpu.VMEM((b_per_w, D), jnp.float32),
            pltpu.SemaphoreType.DMA,
        ],
    )
    def k(table_hbm, idx_hbm, out_hbm, idx_v, rows_v, sem):
        wid = lax.axis_index("s") * info.num_cores + lax.axis_index("c")
        base = wid * b_per_w
        pltpu.sync_copy(idx_hbm.at[pl.ds(base, b_per_w)], idx_v)
        pltpu.async_copy(table_hbm.at[idx_v], rows_v, sem).wait()
        pltpu.sync_copy(rows_v, out_hbm.at[pl.ds(base, b_per_w)])

    return k(table, idx)


def _topk_body(emb_ref, w_ref, idx_out_ref, vals_scr, idx_scr, s_scr):
    j = pl.program_id(0)

    @pl.when(j == 0)
    def _():
        vals_scr[...] = jnp.full((B, T), _NEG_INF, jnp.float32)
        idx_scr[...] = jnp.full((B, T), _BIG_I32, jnp.int32)

    s = lax.dot_general(
        emb_ref[...], w_ref[...], (((1,), (1,)), ((), ())),
        preferred_element_type=jnp.float32,
    )
    col = jax.lax.broadcasted_iota(jnp.int32, (1, VT), 1) + j * VT
    s = jnp.where(col < V, s, _NEG_INF)
    s_scr[...] = s

    t0 = vals_scr[:, T - 1:T]
    c = jnp.sum((s > t0).astype(jnp.int32), axis=1, keepdims=True)
    n = jnp.minimum(jnp.max(c), T)
    col_t = jax.lax.broadcasted_iota(jnp.int32, (1, T), 1)

    def _insert(_, carry):
        sv = s_scr[...]
        pv = vals_scr[...]
        pi = idx_scr[...]
        m = jnp.max(sv, axis=1, keepdims=True)
        sel = jnp.min(jnp.where(sv == m, col, _BIG_I32), axis=1,
                      keepdims=True)
        s_scr[...] = jnp.where(col == sel, _NEG_INF, sv)
        do = m > pv[:, T - 1:T]
        p = jnp.sum((pv >= m).astype(jnp.int32), axis=1, keepdims=True)
        sh_v = jnp.concatenate([pv[:, :1], pv[:, :T - 1]], axis=1)
        sh_i = jnp.concatenate([pi[:, :1], pi[:, :T - 1]], axis=1)
        nv = jnp.where(col_t < p, pv, jnp.where(col_t == p, m, sh_v))
        ni = jnp.where(col_t < p, pi, jnp.where(col_t == p, sel, sh_i))
        vals_scr[...] = jnp.where(do, nv, pv)
        idx_scr[...] = jnp.where(do, ni, pi)
        return carry

    lax.fori_loop(0, n, _insert, 0)
    cand_v = vals_scr[...]
    cand_i = idx_scr[...]

    @pl.when(j == NT - 1)
    def _():
        u = jnp.exp(cand_v - cand_v[:, 0:1])
        ub = jax.lax.bitcast_convert_type(u, jnp.int32)
        rem = jnp.full((B, T), True, jnp.bool_)
        picks = []
        for _ in range(K):
            ubm = jnp.where(rem, ub, -_BIG_I32)
            mx = jnp.max(ubm, axis=1, keepdims=True)
            cls = rem & (ubm >= mx - 1)
            pick = jnp.min(jnp.where(cls, cand_i, _BIG_I32), axis=1,
                           keepdims=True)
            picks.append(pick)
            rem = rem & (cand_i != pick)
        idx_out_ref[...] = jnp.concatenate(picks, axis=1)


def _topk_pallas(emb, w, interpret=False):
    return pl.pallas_call(
        _topk_body,
        grid=(NT,),
        in_specs=[
            pl.BlockSpec((B, D), lambda j: (0, 0)),
            pl.BlockSpec((VT, D), lambda j: (j, 0)),
        ],
        out_specs=pl.BlockSpec((B, K), lambda j: (0, 0)),
        out_shape=jax.ShapeDtypeStruct((B, K), jnp.int32),
        scratch_shapes=[
            pltpu.VMEM((B, T), jnp.float32),
            pltpu.VMEM((B, T), jnp.int32),
            pltpu.VMEM((B, VT), jnp.float32),
        ],
        interpret=interpret,
    )(emb, w)


def _att_body(h_ref, a_ref, bt_ref, out_ref):
    h = h_ref[...]
    ha = jnp.tanh(
        lax.dot_general(h, a_ref[...], (((1,), (0,)), ((), ())),
                        preferred_element_type=jnp.float32,
                        precision=lax.Precision.HIGHEST))
    e = jnp.sum(ha * bt_ref[...], axis=1, keepdims=True)
    e3 = e.reshape(B, K, 1)
    p = jnp.exp(e3 - jnp.max(e3, axis=1, keepdims=True))
    wgt = p / jnp.sum(p, axis=1, keepdims=True)
    out_ref[...] = jnp.sum(h.reshape(B, K, D) * wgt, axis=1)


def _att_pallas(h, a, bt, interpret=False):
    return pl.pallas_call(
        _att_body,
        out_shape=jax.ShapeDtypeStruct((B, D), jnp.float32),
        interpret=interpret,
    )(h, a, bt)


def kernel(conceptnet_text_vec, W, a, b):
    emb = _gather_rows(W, conceptnet_text_vec, B)
    idx2 = _topk_pallas(emb, W)
    h = _gather_rows(W, idx2.reshape(-1), B * K)
    return _att_pallas(h, a, b.reshape(1, D))

# --- scband reference (transcript-rebuilt; emitter-appended) ---
"""Pipeline reference for scband-concept-net-encoder-24343874633941 (READ-ONLY COPY).

The authoritative reference and input builder live on the scoring server;
editing this copy changes nothing except your own understanding.
"""

import jax, jax.numpy as jnp
import numpy as np

EMB_SIZE = 128
VOCAB = 100000
BATCH = 1024
TOPK = 8


def setup_inputs(seed: int = 0) -> dict:
    key = jax.random.key(seed)
    k1, k2, k3, k4 = jax.random.split(key, 4)
    conceptnet_text_vec = jax.random.randint(k1, (BATCH,), 0, VOCAB, dtype=jnp.int32)
    W = jax.random.normal(k2, (VOCAB, EMB_SIZE), dtype=jnp.float32) * 0.02
    # xavier_uniform with gain=1.414
    la = 1.414 * np.sqrt(6.0 / (EMB_SIZE + EMB_SIZE))
    a = jax.random.uniform(k3, (EMB_SIZE, EMB_SIZE), minval=-la, maxval=la, dtype=jnp.float32)
    lb = 1.414 * np.sqrt(6.0 / (EMB_SIZE + 1))
    b = jax.random.uniform(k4, (EMB_SIZE, 1), minval=-lb, maxval=lb, dtype=jnp.float32)
    return {"conceptnet_text_vec": conceptnet_text_vec, "W": W, "a": a, "b": b}


def reference(conceptnet_text_vec, W, a, b):
    # embedding lookup
    emb = jnp.take(W, conceptnet_text_vec, axis=0)          # [B, D]
    # similarity against whole table + softmax
    logits = jnp.matmul(emb, W.T)                           # [B, V]
    match = jax.nn.softmax(logits, axis=-1)
    # top-k retrieval (indices only)
    _, idx2 = jax.lax.top_k(match, TOPK)                    # [B, K]
    # gather retrieved concept embeddings
    h = jnp.take(W, idx2, axis=0)                           # [B, K, D]
    # self-attention pooling over the K retrieved concepts
    e = jnp.swapaxes(jnp.matmul(jnp.tanh(jnp.matmul(h, a)), b), -1, -2)  # [B, 1, K]
    attention = jax.nn.softmax(e, axis=-1)
    att_emb = jnp.squeeze(jnp.matmul(attention, h), axis=-2)  # [B, D]
    return att_emb

if __name__ == "__main__":
    import jax
    _d = setup_inputs()
    print(jax.jit(kernel)(*tuple(_d.values())))

</pallas_src>

<mosaic_0001>
#map = affine_map<(d0, d1) -> (0, 0)>
#map1 = affine_map<(d0, d1) -> (0)>
module attributes {stable_mosaic.version = 14 : i64} {
  func.func @k(%arg0: i32, %arg1: i32, %arg2: memref<100000x128xf32, #tpu.memory_space<hbm>>, %arg3: memref<8192xi32, #tpu.memory_space<hbm>>, %arg4: memref<8192x128xf32, #tpu.memory_space<hbm>>, %arg5: memref<256xi32, #tpu.memory_space<vmem>>, %arg6: memref<256x128xf32, #tpu.memory_space<vmem>>, %arg7: memref<!tpu.dma_semaphore, #tpu.memory_space<semaphore_mem>>) attributes {dimension_semantics = [#tpu.dimension_semantics<core_parallel>, #tpu.dimension_semantics<subcore_parallel>], iteration_bounds = array<i64: 2, 16>, scalar_prefetch = 0 : i64, scratch_operands = 3 : i64, tpu.core_type = #tpu.core_type<sc_vector_subcore>, window_params = [{transform_indices = #map}, {transform_indices = #map1}, {transform_indices = #map}]} {
    %mul3A = arith.constant 2 : i32
    %mul3A_0 = arith.muli %arg1, %mul3A : i32
    %add3A = arith.addi %mul3A_0, %arg0 : i32
    %mul3A_1 = arith.constant 256 : i32
    %mul3A_2 = arith.muli %add3A, %mul3A_1 : i32
    "tpu.region"() ({
      %run_scoped3A = tpu.sem_alloc : memref<!tpu.dma_semaphore, #tpu.memory_space<semaphore_mem>>
      %dma_start3A_7 = tpu.memref_slice %arg3[%mul3A_2] : memref<8192xi32, #tpu.memory_space<hbm>> -> memref<256xi32, #tpu.memory_space<hbm>>
      %dma_start3A_8 = tpu.memref_slice %arg3[%mul3A_2] : memref<8192xi32, #tpu.memory_space<hbm>> -> memref<256xi32, #tpu.memory_space<hbm>>
      tpu.enqueue_dma source(%dma_start3A_8 : memref<256xi32, #tpu.memory_space<hbm>>) target(%arg5 : memref<256xi32, #tpu.memory_space<vmem>>) target_semaphore(%run_scoped3A : memref<!tpu.dma_semaphore, #tpu.memory_space<semaphore_mem>>)
      %dma_wait3A_9 = tpu.memref_slice %arg3[%mul3A_2] : memref<8192xi32, #tpu.memory_space<hbm>> -> memref<256xi32, #tpu.memory_space<hbm>>
      %dma_wait3A_10 = tpu.memref_slice %arg3[%mul3A_2] : memref<8192xi32, #tpu.memory_space<hbm>> -> memref<256xi32, #tpu.memory_space<hbm>>
      tpu.wait_dma2 semaphore(%run_scoped3A : memref<!tpu.dma_semaphore, #tpu.memory_space<semaphore_mem>>) src(%dma_wait3A_10 : memref<256xi32, #tpu.memory_space<hbm>>) dst(%arg5 : memref<256xi32, #tpu.memory_space<vmem>>)
      tpu.yield
    }) : () -> ()
    %dma_start3A = arith.constant 0 : i32
    %dma_start3A_3 = arith.constant 0 : i32
    %dma_start3A_4 = tpu.memref_slice %arg2[%dma_start3A, %dma_start3A_3] : memref<100000x128xf32, #tpu.memory_space<hbm>> -> memref<100000x128xf32, #tpu.memory_space<hbm>>
    tpu.enqueue_indirect_dma source(%dma_start3A_4 : memref<100000x128xf32, #tpu.memory_space<hbm>>) target(%arg6 : memref<256x128xf32, #tpu.memory_space<vmem>>) offsets(%arg5 : memref<256xi32, #tpu.memory_space<vmem>>) semaphore(%arg7 : memref<!tpu.dma_semaphore, #tpu.memory_space<semaphore_mem>>)
    %dma_wait3A = arith.constant 0 : i32
    %dma_wait3A_5 = arith.constant 0 : i32
    %dma_wait3A_6 = tpu.memref_slice %arg2[%dma_wait3A, %dma_wait3A_5] : memref<100000x128xf32, #tpu.memory_space<hbm>> -> memref<100000x128xf32, #tpu.memory_space<hbm>>
    tpu.wait_indirect_dma semaphore(%arg7 : memref<!tpu.dma_semaphore, #tpu.memory_space<semaphore_mem>>) src(%dma_wait3A_6 : memref<100000x128xf32, #tpu.memory_space<hbm>>) dst(%arg6 : memref<256x128xf32, #tpu.memory_space<vmem>>)
    "tpu.region"() ({
      %run_scoped3A = tpu.sem_alloc : memref<!tpu.dma_semaphore, #tpu.memory_space<semaphore_mem>>
      %dma_start3A_7 = arith.constant 0 : i32
      %dma_start3A_8 = tpu.memref_slice %arg4[%mul3A_2, %dma_start3A_7] : memref<8192x128xf32, #tpu.memory_space<hbm>> -> memref<256x128xf32, #tpu.memory_space<hbm>>
      %dma_start3A_9 = arith.constant 0 : i32
      %dma_start3A_10 = tpu.memref_slice %arg4[%mul3A_2, %dma_start3A_9] : memref<8192x128xf32, #tpu.memory_space<hbm>> -> memref<256x128xf32, #tpu.memory_space<hbm>>
      tpu.enqueue_dma source(%arg6 : memref<256x128xf32, #tpu.memory_space<vmem>>) target(%dma_start3A_10 : memref<256x128xf32, #tpu.memory_space<hbm>>) target_semaphore(%run_scoped3A : memref<!tpu.dma_semaphore, #tpu.memory_space<semaphore_mem>>)
      %dma_wait3A_11 = arith.constant 0 : i32
      %dma_wait3A_12 = tpu.memref_slice %arg4[%mul3A_2, %dma_wait3A_11] : memref<8192x128xf32, #tpu.memory_space<hbm>> -> memref<256x128xf32, #tpu.memory_space<hbm>>
      %dma_wait3A_13 = arith.constant 0 : i32
      %dma_wait3A_14 = tpu.memref_slice %arg4[%mul3A_2, %dma_wait3A_13] : memref<8192x128xf32, #tpu.memory_space<hbm>> -> memref<256x128xf32, #tpu.memory_space<hbm>>
      tpu.wait_dma2 semaphore(%run_scoped3A : memref<!tpu.dma_semaphore, #tpu.memory_space<semaphore_mem>>) src(%arg6 : memref<256x128xf32, #tpu.memory_space<vmem>>) dst(%dma_wait3A_14 : memref<256x128xf32, #tpu.memory_space<hbm>>)
      tpu.yield
    }) : () -> ()
    return
  }
}

#map = affine_map<(d0, d1) -> (0, 0)>
#map1 = affine_map<(d0, d1) -> (0)>
module attributes {stable_mosaic.version = 14 : i64} {
  func.func @k(%arg0: i32, %arg1: i32, %arg2: memref<100000x128xf32, #tpu.memory_space<hbm>>, %arg3: memref<1024xi32, #tpu.memory_space<hbm>>, %arg4: memref<1024x128xf32, #tpu.memory_space<hbm>>, %arg5: memref<32xi32, #tpu.memory_space<vmem>>, %arg6: memref<32x128xf32, #tpu.memory_space<vmem>>, %arg7: memref<!tpu.dma_semaphore, #tpu.memory_space<semaphore_mem>>) attributes {dimension_semantics = [#tpu.dimension_semantics<core_parallel>, #tpu.dimension_semantics<subcore_parallel>], iteration_bounds = array<i64: 2, 16>, scalar_prefetch = 0 : i64, scratch_operands = 3 : i64, tpu.core_type = #tpu.core_type<sc_vector_subcore>, window_params = [{transform_indices = #map}, {transform_indices = #map1}, {transform_indices = #map}]} {
    %mul3A = arith.constant 2 : i32
    %mul3A_0 = arith.muli %arg1, %mul3A : i32
    %add3A = arith.addi %mul3A_0, %arg0 : i32
    %mul3A_1 = arith.constant 32 : i32
    %mul3A_2 = arith.muli %add3A, %mul3A_1 : i32
    "tpu.region"() ({
      %run_scoped3A = tpu.sem_alloc : memref<!tpu.dma_semaphore, #tpu.memory_space<semaphore_mem>>
      %dma_start3A_7 = tpu.memref_slice %arg3[%mul3A_2] : memref<1024xi32, #tpu.memory_space<hbm>> -> memref<32xi32, #tpu.memory_space<hbm>>
      %dma_start3A_8 = tpu.memref_slice %arg3[%mul3A_2] : memref<1024xi32, #tpu.memory_space<hbm>> -> memref<32xi32, #tpu.memory_space<hbm>>
      tpu.enqueue_dma source(%dma_start3A_8 : memref<32xi32, #tpu.memory_space<hbm>>) target(%arg5 : memref<32xi32, #tpu.memory_space<vmem>>) target_semaphore(%run_scoped3A : memref<!tpu.dma_semaphore, #tpu.memory_space<semaphore_mem>>)
      %dma_wait3A_9 = tpu.memref_slice %arg3[%mul3A_2] : memref<1024xi32, #tpu.memory_space<hbm>> -> memref<32xi32, #tpu.memory_space<hbm>>
      %dma_wait3A_10 = tpu.memref_slice %arg3[%mul3A_2] : memref<1024xi32, #tpu.memory_space<hbm>> -> memref<32xi32, #tpu.memory_space<hbm>>
      tpu.wait_dma2 semaphore(%run_scoped3A : memref<!tpu.dma_semaphore, #tpu.memory_space<semaphore_mem>>) src(%dma_wait3A_10 : memref<32xi32, #tpu.memory_space<hbm>>) dst(%arg5 : memref<32xi32, #tpu.memory_space<vmem>>)
      tpu.yield
    }) : () -> ()
    %dma_start3A = arith.constant 0 : i32
    %dma_start3A_3 = arith.constant 0 : i32
    %dma_start3A_4 = tpu.memref_slice %arg2[%dma_start3A, %dma_start3A_3] : memref<100000x128xf32, #tpu.memory_space<hbm>> -> memref<100000x128xf32, #tpu.memory_space<hbm>>
    tpu.enqueue_indirect_dma source(%dma_start3A_4 : memref<100000x128xf32, #tpu.memory_space<hbm>>) target(%arg6 : memref<32x128xf32, #tpu.memory_space<vmem>>) offsets(%arg5 : memref<32xi32, #tpu.memory_space<vmem>>) semaphore(%arg7 : memref<!tpu.dma_semaphore, #tpu.memory_space<semaphore_mem>>)
    %dma_wait3A = arith.constant 0 : i32
    %dma_wait3A_5 = arith.constant 0 : i32
    %dma_wait3A_6 = tpu.memref_slice %arg2[%dma_wait3A, %dma_wait3A_5] : memref<100000x128xf32, #tpu.memory_space<hbm>> -> memref<100000x128xf32, #tpu.memory_space<hbm>>
    tpu.wait_indirect_dma semaphore(%arg7 : memref<!tpu.dma_semaphore, #tpu.memory_space<semaphore_mem>>) src(%dma_wait3A_6 : memref<100000x128xf32, #tpu.memory_space<hbm>>) dst(%arg6 : memref<32x128xf32, #tpu.memory_space<vmem>>)
    "tpu.region"() ({
      %run_scoped3A = tpu.sem_alloc : memref<!tpu.dma_semaphore, #tpu.memory_space<semaphore_mem>>
      %dma_start3A_7 = arith.constant 0 : i32
      %dma_start3A_8 = tpu.memref_slice %arg4[%mul3A_2, %dma_start3A_7] : memref<1024x128xf32, #tpu.memory_space<hbm>> -> memref<32x128xf32, #tpu.memory_space<hbm>>
      %dma_start3A_9 = arith.constant 0 : i32
      %dma_start3A_10 = tpu.memref_slice %arg4[%mul3A_2, %dma_start3A_9] : memref<1024x128xf32, #tpu.memory_space<hbm>> -> memref<32x128xf32, #tpu.memory_space<hbm>>
      tpu.enqueue_dma source(%arg6 : memref<32x128xf32, #tpu.memory_space<vmem>>) target(%dma_start3A_10 : memref<32x128xf32, #tpu.memory_space<hbm>>) target_semaphore(%run_scoped3A : memref<!tpu.dma_semaphore, #tpu.memory_space<semaphore_mem>>)
      %dma_wait3A_11 = arith.constant 0 : i32
      %dma_wait3A_12 = tpu.memref_slice %arg4[%mul3A_2, %dma_wait3A_11] : memref<1024x128xf32, #tpu.memory_space<hbm>> -> memref<32x128xf32, #tpu.memory_space<hbm>>
      %dma_wait3A_13 = arith.constant 0 : i32
      %dma_wait3A_14 = tpu.memref_slice %arg4[%mul3A_2, %dma_wait3A_13] : memref<1024x128xf32, #tpu.memory_space<hbm>> -> memref<32x128xf32, #tpu.memory_space<hbm>>
      tpu.wait_dma2 semaphore(%run_scoped3A : memref<!tpu.dma_semaphore, #tpu.memory_space<semaphore_mem>>) src(%arg6 : memref<32x128xf32, #tpu.memory_space<vmem>>) dst(%dma_wait3A_14 : memref<32x128xf32, #tpu.memory_space<hbm>>)
      tpu.yield
    }) : () -> ()
    return
  }
}

module attributes {stable_mosaic.version = 14 : i64} {
  func.func @_att_body(%arg0: memref<8192x128xf32, #tpu.memory_space<vmem>>, %arg1: memref<128x128xf32, #tpu.memory_space<vmem>>, %arg2: memref<1x128xf32, #tpu.memory_space<vmem>>, %arg3: memref<1024x128xf32, #tpu.memory_space<vmem>>) attributes {dimension_semantics = [], scalar_prefetch = 0 : i64, scratch_operands = 0 : i64, tpu.core_type = #tpu.core_type<tc>} {
    %get3A = arith.constant 0 : index
    %get3A_0 = arith.constant 0 : index
    %get3A_1 = vector.load %arg0[%get3A, %get3A_0] : memref<8192x128xf32, #tpu.memory_space<vmem>>, vector<8192x128xf32>
    %get3A_2 = arith.constant 0 : index
    %get3A_3 = arith.constant 0 : index
    %get3A_4 = vector.load %arg1[%get3A_2, %get3A_3] : memref<128x128xf32, #tpu.memory_space<vmem>>, vector<128x128xf32>
    %dot_general3A = arith.constant dense<0.000000e+00> : vector<8192x128xf32>
    %dot_general3A_5 = tpu.matmul %get3A_1, %get3A_4, %dot_general3A {dimension_numbers = #tpu.dot_dimension_numbers<[1], [0], [0], [1], [0, 0, 1, 1], [], []>, precision = #tpu.contract_precision<fp32>, transpose_lhs_hint = false} : vector<8192x128xf32>, vector<128x128xf32>, vector<8192x128xf32> -> vector<8192x128xf32>
    %tanh3A = math.tanh %dot_general3A_5 : vector<8192x128xf32>
    %get3A_6 = arith.constant 0 : index
    %get3A_7 = arith.constant 0 : index
    %get3A_8 = vector.load %arg2[%get3A_6, %get3A_7] : memref<1x128xf32, #tpu.memory_space<vmem>>, vector<1x128xf32>
    %mul3A = vector.broadcast %get3A_8 : vector<1x128xf32> to vector<8192x128xf32>
    %mul3A_9 = arith.mulf %tanh3A, %mul3A : vector<8192x128xf32>
    %reduce_sum3A = arith.constant dense<0.000000e+00> : vector<8192xf32>
    %reduce_sum3A_10 = vector.multi_reduction <add>, %mul3A_9, %reduce_sum3A [1] : vector<8192x128xf32> to vector<8192xf32>
    %broadcast_in_dim3A = vector.shape_cast %reduce_sum3A_10 : vector<8192xf32> to vector<8192x1xf32>
    %reshape3A = vector.shape_cast %broadcast_in_dim3A : vector<8192x1xf32> to vector<1024x8x1xf32>
    %reduce_max3A = arith.constant dense<0xFF800000> : vector<1024x1xf32>
    %reduce_max3A_11 = vector.multi_reduction <maximumf>, %reshape3A, %reduce_max3A [1] : vector<1024x8x1xf32> to vector<1024x1xf32>
    %broadcast_in_dim3A_12 = vector.shape_cast %reduce_max3A_11 : vector<1024x1xf32> to vector<1024x1x1xf32>
    %sub3A = vector.broadcast %broadcast_in_dim3A_12 : vector<1024x1x1xf32> to vector<1024x8x1xf32>
    %sub3A_13 = arith.subf %reshape3A, %sub3A : vector<1024x8x1xf32>
    %exp3A = math.exp %sub3A_13 : vector<1024x8x1xf32>
    %reduce_sum3A_14 = arith.constant dense<0.000000e+00> : vector<1024x1xf32>
    %reduce_sum3A_15 = vector.multi_reduction <add>, %exp3A, %reduce_sum3A_14 [1] : vector<1024x8x1xf32> to vector<1024x1xf32>
    %broadcast_in_dim3A_16 = vector.shape_cast %reduce_sum3A_15 : vector<1024x1xf32> to vector<1024x1x1xf32>
    %div3A = vector.broadcast %broadcast_in_dim3A_16 : vector<1024x1x1xf32> to vector<1024x8x1xf32>
    %div3A_17 = arith.divf %exp3A, %div3A : vector<1024x8x1xf32>
    %reshape3A_18 = vector.shape_cast %get3A_1 : vector<8192x128xf32> to vector<1024x8x128xf32>
    %mul3A_19 = vector.broadcast %div3A_17 : vector<1024x8x1xf32> to vector<1024x8x128xf32>
    %mul3A_20 = arith.mulf %reshape3A_18, %mul3A_19 : vector<1024x8x128xf32>
    %reduce_sum3A_21 = arith.constant dense<0.000000e+00> : vector<1024x128xf32>
    %reduce_sum3A_22 = vector.multi_reduction <add>, %mul3A_20, %reduce_sum3A_21 [1] : vector<1024x8x128xf32> to vector<1024x128xf32>
    %swap3A = arith.constant 0 : index
    %swap3A_23 = arith.constant 0 : index
    %swap3A_24 = vector.load %arg3[%swap3A, %swap3A_23] : memref<1024x128xf32, #tpu.memory_space<vmem>>, vector<1024x128xf32>
    tpu.vector_store %arg3[%swap3A, %swap3A_23], %reduce_sum3A_22 {strides = array<i32>} : memref<1024x128xf32, #tpu.memory_space<vmem>>, vector<1024x128xf32>,
    return
  }
}

module attributes {stable_mosaic.version = 14 : i64} {
  func.func @_topk_body(%arg0: i32, %arg1: memref<1024x128xf32, #tpu.memory_space<vmem>>, %arg2: memref<2048x128xf32, #tpu.memory_space<vmem>>, %arg3: memref<1024x8xi32, #tpu.memory_space<vmem>>, %arg4: memref<1024x12xf32, #tpu.memory_space<vmem>>, %arg5: memref<1024x12xi32, #tpu.memory_space<vmem>>, %arg6: memref<1024x2048xf32, #tpu.memory_space<vmem>>) attributes {dimension_semantics = [#tpu.dimension_semantics<arbitrary>], iteration_bounds = array<i64: 49>, scalar_prefetch = 0 : i64, scratch_operands = 3 : i64, tpu.core_type = #tpu.core_type<tc>, window_params = [{pipeline_mode = #tpu.pipeline_mode<synchronous>, transform_indices = @transform_0, window_bounds = array<i64: 1024, 128>}, {transform_indices = @transform_1, window_bounds = array<i64: 2048, 128>}, {pipeline_mode = #tpu.pipeline_mode<synchronous>, transform_indices = @transform_2, window_bounds = array<i64: 1024, 8>}]} {
    %eq3A = arith.constant 0 : i32
    %eq3A_0 = arith.cmpi eq, %arg0, %eq3A : i32
    %convert_element_type3A = arith.extui %eq3A_0 : i1 to i32
    %cond3A = arith.constant 0 : i32
    %cond3A_1 = arith.cmpi ne, %convert_element_type3A, %cond3A : i32
    scf.if %cond3A_1 {
      %broadcast_in_dim3A_49 = arith.constant 0xFF800000 : f32
      %broadcast_in_dim3A_50 = vector.broadcast %broadcast_in_dim3A_49 : f32 to vector<1024x12xf32>
      %swap3A_51 = arith.constant 0 : index
      %swap3A_52 = arith.constant 0 : index
      %swap3A_53 = vector.load %arg4[%swap3A_51, %swap3A_52] : memref<1024x12xf32, #tpu.memory_space<vmem>>, vector<1024x12xf32>
      tpu.vector_store %arg4[%swap3A_51, %swap3A_52], %broadcast_in_dim3A_50 {strides = array<i32>} : memref<1024x12xf32, #tpu.memory_space<vmem>>, vector<1024x12xf32>,
      %broadcast_in_dim3A_54 = arith.constant 2147483647 : i32
      %broadcast_in_dim3A_55 = vector.broadcast %broadcast_in_dim3A_54 : i32 to vector<1024x12xi32>
      %swap3A_56 = arith.constant 0 : index
      %swap3A_57 = arith.constant 0 : index
      %swap3A_58 = vector.load %arg5[%swap3A_56, %swap3A_57] : memref<1024x12xi32, #tpu.memory_space<vmem>>, vector<1024x12xi32>
      tpu.vector_store %arg5[%swap3A_56, %swap3A_57], %broadcast_in_dim3A_55 {strides = array<i32>} : memref<1024x12xi32, #tpu.memory_space<vmem>>, vector<1024x12xi32>,
    } else {
    }
    %get3A = arith.constant 0 : index
    %get3A_2 = arith.constant 0 : index
    %get3A_3 = vector.load %arg1[%get3A, %get3A_2] : memref<1024x128xf32, #tpu.memory_space<vmem>>, vector<1024x128xf32>
    %get3A_4 = arith.constant 0 : index
    %get3A_5 = arith.constant 0 : index
    %get3A_6 = vector.load %arg2[%get3A_4, %get3A_5] : memref<2048x128xf32, #tpu.memory_space<vmem>>, vector<2048x128xf32>
    %dot_general3A = arith.constant dense<0.000000e+00> : vector<1024x2048xf32>
    %dot_general3A_7 = tpu.matmul %get3A_3, %get3A_6, %dot_general3A {dimension_numbers = #tpu.dot_dimension_numbers<[1], [1], [0], [0], [0, 0, 1, 0], [], []>, transpose_lhs_hint = false} : vector<1024x128xf32>, vector<2048x128xf32>, vector<1024x2048xf32> -> vector<1024x2048xf32>
    %iota3A = tpu.iota {dimensions = array<i32: 1>} : vector<1x2048xi32>
    %mul3A = arith.constant 2048 : i32
    %mul3A_8 = arith.muli %arg0, %mul3A : i32
    %add3A = vector.broadcast %mul3A_8 : i32 to vector<1x2048xi32>
    %add3A_9 = arith.addi %iota3A, %add3A : vector<1x2048xi32>
    %lt3A = arith.constant 100000 : i32
    %lt3A_10 = vector.broadcast %lt3A : i32 to vector<1x2048xi32>
    %lt3A_11 = arith.cmpi slt, %add3A_9, %lt3A_10 : vector<1x2048xi32>
    %jit3A = arith.constant 0xFF800000 : f32
    %broadcast_in_dim3A = vector.shape_cast %lt3A_11 : vector<1x2048xi1> to vector<1x2048xi1>
    %broadcast_in_dim3A_12 = vector.broadcast %broadcast_in_dim3A : vector<1x2048xi1> to vector<1024x2048xi1>
    %broadcast_in_dim3A_13 = vector.broadcast %jit3A : f32 to vector<1024x2048xf32>
    %select_n3A = arith.select %broadcast_in_dim3A_12, %dot_general3A_7, %broadcast_in_dim3A_13 : vector<1024x2048xi1>, vector<1024x2048xf32>
    %swap3A = arith.constant 0 : index
    %swap3A_14 = arith.constant 0 : index
    %swap3A_15 = vector.load %arg6[%swap3A, %swap3A_14] : memref<1024x2048xf32, #tpu.memory_space<vmem>>, vector<1024x2048xf32>
    tpu.vector_store %arg6[%swap3A, %swap3A_14], %select_n3A {strides = array<i32>} : memref<1024x2048xf32, #tpu.memory_space<vmem>>, vector<1024x2048xf32>,
    %get3A_16 = arith.constant 0 : index
    %get3A_17 = arith.constant 11 : index
    %get3A_18 = vector.load %arg4[%get3A_16, %get3A_17] : memref<1024x12xf32, #tpu.memory_space<vmem>>, vector<1024x1xf32>
    %gt3A = vector.broadcast %get3A_18 : vector<1024x1xf32> to vector<1024x2048xf32>
    %gt3A_19 = arith.cmpf ogt, %select_n3A, %gt3A : vector<1024x2048xf32>
    %convert_element_type3A_20 = arith.extui %gt3A_19 : vector<1024x2048xi1> to vector<1024x2048xi32>
    %reduce_sum3A = arith.constant dense<0> : vector<1024xi32>
    %reduce_sum3A_21 = vector.multi_reduction <add>, %convert_element_type3A_20, %reduce_sum3A [1] : vector<1024x2048xi32> to vector<1024xi32>
    %broadcast_in_dim3A_22 = vector.shape_cast %reduce_sum3A_21 : vector<1024xi32> to vector<1024x1xi32>
    %reduce_max3A = vector.shape_cast %broadcast_in_dim3A_22 : vector<1024x1xi32> to vector<1x1024x1xi32>
    %reduce_max3A_23 = arith.constant dense<-2147483648> : vector<1xi32>
    %reduce_max3A_24 = vector.multi_reduction <maxsi>, %reduce_max3A, %reduce_max3A_23 [1, 2] : vector<1x1024x1xi32> to vector<1xi32>
    %reduce_max3A_25 = vector.shape_cast %reduce_max3A_24 : vector<1xi32> to vector<1x1x1xi32>
    %reduce_max3A_26 = vector.extract %reduce_max3A_25[0, 0, 0] : i32 from vector<1x1x1xi32>
    %min3A = arith.constant 12 : i32
    %min3A_27 = arith.minsi %reduce_max3A_26, %min3A : i32
    %iota3A_28 = tpu.iota {dimensions = array<i32: 1>} : vector<1x12xi32>
    %while3A = arith.constant 0 : i32
    %while3A_29 = arith.constant 0 : i32
    %while3A_30 = arith.subi %min3A_27, %while3A_29 : i32
    %while3A_31 = arith.addi %while3A_29, %while3A_30 : i32
    %while3A_32 = arith.constant 1 : i32
    %while3A_33 = arith.divsi %while3A_30, %while3A_32 : i32
    %while3A_34 = arith.muli %while3A_33, %while3A_32 : i32
    %while3A_35 = arith.addi %while3A_29, %while3A_34 : i32
    %while3A_36 = arith.constant 1 : i32
    scf.for %while3A_49 = %while3A_29 to %while3A_35 step %while3A_36  : i32 {
      %get3A_50 = arith.constant 0 : index
      %get3A_51 = arith.constant 0 : index
      %get3A_52 = vector.load %arg6[%get3A_50, %get3A_51] : memref<1024x2048xf32, #tpu.memory_space<vmem>>, vector<1024x2048xf32>
      %get3A_53 = arith.constant 0 : index
      %get3A_54 = arith.constant 0 : index
      %get3A_55 = vector.load %arg4[%get3A_53, %get3A_54] : memref<1024x12xf32, #tpu.memory_space<vmem>>, vector<1024x12xf32>
      %get3A_56 = arith.constant 0 : index
      %get3A_57 = arith.constant 0 : index
      %get3A_58 = vector.load %arg5[%get3A_56, %get3A_57] : memref<1024x12xi32, #tpu.memory_space<vmem>>, vector<1024x12xi32>
      %reduce_max3A_59 = arith.constant dense<0xFF800000> : vector<1024xf32>
      %reduce_max3A_60 = vector.multi_reduction <maximumf>, %get3A_52, %reduce_max3A_59 [1] : vector<1024x2048xf32> to vector<1024xf32>
      %broadcast_in_dim3A_61 = vector.shape_cast %reduce_max3A_60 : vector<1024xf32> to vector<1024x1xf32>
      %eq3A_62 = vector.broadcast %broadcast_in_dim3A_61 : vector<1024x1xf32> to vector<1024x2048xf32>
      %eq3A_63 = arith.cmpf oeq, %get3A_52, %eq3A_62 : vector<1024x2048xf32>
      %jit3A_64 = arith.constant 2147483647 : i32
      %broadcast_in_dim3A_65 = vector.shape_cast %add3A_9 : vector<1x2048xi32> to vector<1x2048xi32>
      %broadcast_in_dim3A_66 = vector.broadcast %broadcast_in_dim3A_65 : vector<1x2048xi32> to vector<1024x2048xi32>
      %broadcast_in_dim3A_67 = vector.broadcast %jit3A_64 : i32 to vector<1024x2048xi32>
      %select_n3A_68 = arith.select %eq3A_63, %broadcast_in_dim3A_66, %broadcast_in_dim3A_67 : vector<1024x2048xi1>, vector<1024x2048xi32>
      %reduce_min3A = arith.constant dense<2147483647> : vector<1024xi32>
      %reduce_min3A_69 = vector.multi_reduction <minsi>, %select_n3A_68, %reduce_min3A [1] : vector<1024x2048xi32> to vector<1024xi32>
      %broadcast_in_dim3A_70 = vector.shape_cast %reduce_min3A_69 : vector<1024xi32> to vector<1024x1xi32>
      %eq3A_71 = vector.broadcast %add3A_9 : vector<1x2048xi32> to vector<1024x2048xi32>
      %eq3A_72 = vector.broadcast %broadcast_in_dim3A_70 : vector<1024x1xi32> to vector<1024x2048xi32>
      %eq3A_73 = arith.cmpi eq, %eq3A_71, %eq3A_72 : vector<1024x2048xi32>
      %jit3A_74 = arith.constant 0xFF800000 : f32
      %broadcast_in_dim3A_75 = vector.broadcast %jit3A_74 : f32 to vector<1024x2048xf32>
      %select_n3A_76 = arith.select %eq3A_73, %broadcast_in_dim3A_75, %get3A_52 : vector<1024x2048xi1>, vector<1024x2048xf32>
      %swap3A_77 = arith.constant 0 : index
      %swap3A_78 = arith.constant 0 : index
      %swap3A_79 = vector.load %arg6[%swap3A_77, %swap3A_78] : memref<1024x2048xf32, #tpu.memory_space<vmem>>, vector<1024x2048xf32>
      tpu.vector_store %arg6[%swap3A_77, %swap3A_78], %select_n3A_76 {strides = array<i32>} : memref<1024x2048xf32, #tpu.memory_space<vmem>>, vector<1024x2048xf32>,
      %slice3A = vector.extract_strided_slice %get3A_55 {offsets = [0, 11], sizes = [1024, 1], strides = [1, 1]} : vector<1024x12xf32> to vector<1024x1xf32>
      %gt3A_80 = arith.cmpf ogt, %broadcast_in_dim3A_61, %slice3A : vector<1024x1xf32>
      %ge3A = vector.broadcast %broadcast_in_dim3A_61 : vector<1024x1xf32> to vector<1024x12xf32>
      %ge3A_81 = arith.cmpf oge, %get3A_55, %ge3A : vector<1024x12xf32>
      %convert_element_type3A_82 = arith.extui %ge3A_81 : vector<1024x12xi1> to vector<1024x12xi32>
      %reduce_sum3A_83 = arith.constant dense<0> : vector<1024xi32>
      %reduce_sum3A_84 = vector.multi_reduction <add>, %convert_element_type3A_82, %reduce_sum3A_83 [1] : vector<1024x12xi32> to vector<1024xi32>
      %broadcast_in_dim3A_85 = vector.shape_cast %reduce_sum3A_84 : vector<1024xi32> to vector<1024x1xi32>
      %slice3A_86 = vector.extract_strided_slice %get3A_55 {offsets = [0, 0], sizes = [1024, 1], strides = [1, 1]} : vector<1024x12xf32> to vector<1024x1xf32>
      %slice3A_87 = vector.extract_strided_slice %get3A_55 {offsets = [0, 0], sizes = [1024, 11], strides = [1, 1]} : vector<1024x12xf32> to vector<1024x11xf32>
      %concatenate3A = tpu.concatenate %slice3A_86, %slice3A_87 in 1 : vector<1024x1xf32>, vector<1024x11xf32> -> vector<1024x12xf32>
      %slice3A_88 = vector.extract_strided_slice %get3A_58 {offsets = [0, 0], sizes = [1024, 1], strides = [1, 1]} : vector<1024x12xi32> to vector<1024x1xi32>
      %slice3A_89 = vector.extract_strided_slice %get3A_58 {offsets = [0, 0], sizes = [1024, 11], strides = [1, 1]} : vector<1024x12xi32> to vector<1024x11xi32>
      %concatenate3A_90 = tpu.concatenate %slice3A_88, %slice3A_89 in 1 : vector<1024x1xi32>, vector<1024x11xi32> -> vector<1024x12xi32>
      %lt3A_91 = vector.broadcast %iota3A_28 : vector<1x12xi32> to vector<1024x12xi32>
      %lt3A_92 = vector.broadcast %broadcast_in_dim3A_85 : vector<1024x1xi32> to vector<1024x12xi32>
      %lt3A_93 = arith.cmpi slt, %lt3A_91, %lt3A_92 : vector<1024x12xi32>
      %eq3A_94 = vector.broadcast %iota3A_28 : vector<1x12xi32> to vector<1024x12xi32>
      %eq3A_95 = vector.broadcast %broadcast_in_dim3A_85 : vector<1024x1xi32> to vector<1024x12xi32>
      %eq3A_96 = arith.cmpi eq, %eq3A_94, %eq3A_95 : vector<1024x12xi32>
      %broadcast_in_dim3A_97 = vector.shape_cast %broadcast_in_dim3A_61 : vector<1024x1xf32> to vector<1024x1xf32>
      %broadcast_in_dim3A_98 = vector.broadcast %broadcast_in_dim3A_97 : vector<1024x1xf32> to vector<1024x12xf32>
      %select_n3A_99 = arith.select %eq3A_96, %broadcast_in_dim3A_98, %concatenate3A : vector<1024x12xi1>, vector<1024x12xf32>
      %select_n3A_100 = arith.select %lt3A_93, %get3A_55, %select_n3A_99 : vector<1024x12xi1>, vector<1024x12xf32>
      %lt3A_101 = vector.broadcast %iota3A_28 : vector<1x12xi32> to vector<1024x12xi32>
      %lt3A_102 = vector.broadcast %broadcast_in_dim3A_85 : vector<1024x1xi32> to vector<1024x12xi32>
      %lt3A_103 = arith.cmpi slt, %lt3A_101, %lt3A_102 : vector<1024x12xi32>
      %eq3A_104 = vector.broadcast %iota3A_28 : vector<1x12xi32> to vector<1024x12xi32>
      %eq3A_105 = vector.broadcast %broadcast_in_dim3A_85 : vector<1024x1xi32> to vector<1024x12xi32>
      %eq3A_106 = arith.cmpi eq, %eq3A_104, %eq3A_105 : vector<1024x12xi32>
      %broadcast_in_dim3A_107 = vector.shape_cast %broadcast_in_dim3A_70 : vector<1024x1xi32> to vector<1024x1xi32>
      %broadcast_in_dim3A_108 = vector.broadcast %broadcast_in_dim3A_107 : vector<1024x1xi32> to vector<1024x12xi32>
      %select_n3A_109 = arith.select %eq3A_106, %broadcast_in_dim3A_108, %concatenate3A_90 : vector<1024x12xi1>, vector<1024x12xi32>
      %select_n3A_110 = arith.select %lt3A_103, %get3A_58, %select_n3A_109 : vector<1024x12xi1>, vector<1024x12xi32>
      %broadcast_in_dim3A_111 = vector.shape_cast %gt3A_80 : vector<1024x1xi1> to vector<1024x1xi1>
      %broadcast_in_dim3A_112 = vector.broadcast %broadcast_in_dim3A_111 : vector<1024x1xi1> to vector<1024x12xi1>
      %select_n3A_113 = arith.select %broadcast_in_dim3A_112, %select_n3A_100, %get3A_55 : vector<1024x12xi1>, vector<1024x12xf32>
      %swap3A_114 = arith.constant 0 : index
      %swap3A_115 = arith.constant 0 : index
      %swap3A_116 = vector.load %arg4[%swap3A_114, %swap3A_115] : memref<1024x12xf32, #tpu.memory_space<vmem>>, vector<1024x12xf32>
      tpu.vector_store %arg4[%swap3A_114, %swap3A_115], %select_n3A_113 {strides = array<i32>} : memref<1024x12xf32, #tpu.memory_space<vmem>>, vector<1024x12xf32>,
      %broadcast_in_dim3A_117 = vector.shape_cast %gt3A_80 : vector<1024x1xi1> to vector<1024x1xi1>
      %broadcast_in_dim3A_118 = vector.broadcast %broadcast_in_dim3A_117 : vector<1024x1xi1> to vector<1024x12xi1>
      %select_n3A_119 = arith.select %broadcast_in_dim3A_118, %select_n3A_110, %get3A_58 : vector<1024x12xi1>, vector<1024x12xi32>
      %swap3A_120 = arith.constant 0 : index
      %swap3A_121 = arith.constant 0 : index
      %swap3A_122 = vector.load %arg5[%swap3A_120, %swap3A_121] : memref<1024x12xi32, #tpu.memory_space<vmem>>, vector<1024x12xi32>
      tpu.vector_store %arg5[%swap3A_120, %swap3A_121], %select_n3A_119 {strides = array<i32>} : memref<1024x12xi32, #tpu.memory_space<vmem>>, vector<1024x12xi32>,
    }
    %while3A_37 = arith.constant 1 : i32
    scf.for %while3A_49 = %while3A_35 to %while3A_31 step %while3A_37  : i32 {
      %get3A_50 = arith.constant 0 : index
      %get3A_51 = arith.constant 0 : index
      %get3A_52 = vector.load %arg6[%get3A_50, %get3A_51] : memref<1024x2048xf32, #tpu.memory_space<vmem>>, vector<1024x2048xf32>
      %get3A_53 = arith.constant 0 : index
      %get3A_54 = arith.constant 0 : index
      %get3A_55 = vector.load %arg4[%get3A_53, %get3A_54] : memref<1024x12xf32, #tpu.memory_space<vmem>>, vector<1024x12xf32>
      %get3A_56 = arith.constant 0 : index
      %get3A_57 = arith.constant 0 : index
      %get3A_58 = vector.load %arg5[%get3A_56, %get3A_57] : memref<1024x12xi32, #tpu.memory_space<vmem>>, vector<1024x12xi32>
      %reduce_max3A_59 = arith.constant dense<0xFF800000> : vector<1024xf32>
      %reduce_max3A_60 = vector.multi_reduction <maximumf>, %get3A_52, %reduce_max3A_59 [1] : vector<1024x2048xf32> to vector<1024xf32>
      %broadcast_in_dim3A_61 = vector.shape_cast %reduce_max3A_60 : vector<1024xf32> to vector<1024x1xf32>
      %eq3A_62 = vector.broadcast %broadcast_in_dim3A_61 : vector<1024x1xf32> to vector<1024x2048xf32>
      %eq3A_63 = arith.cmpf oeq, %get3A_52, %eq3A_62 : vector<1024x2048xf32>
      %jit3A_64 = arith.constant 2147483647 : i32
      %broadcast_in_dim3A_65 = vector.shape_cast %add3A_9 : vector<1x2048xi32> to vector<1x2048xi32>
      %broadcast_in_dim3A_66 = vector.broadcast %broadcast_in_dim3A_65 : vector<1x2048xi32> to vector<1024x2048xi32>
      %broadcast_in_dim3A_67 = vector.broadcast %jit3A_64 : i32 to vector<1024x2048xi32>
      %select_n3A_68 = arith.select %eq3A_63, %broadcast_in_dim3A_66, %broadcast_in_dim3A_67 : vector<1024x2048xi1>, vector<1024x2048xi32>
      %reduce_min3A = arith.constant dense<2147483647> : vector<1024xi32>
      %reduce_min3A_69 = vector.multi_reduction <minsi>, %select_n3A_68, %reduce_min3A [1] : vector<1024x2048xi32> to vector<1024xi32>
      %broadcast_in_dim3A_70 = vector.shape_cast %reduce_min3A_69 : vector<1024xi32> to vector<1024x1xi32>
      %eq3A_71 = vector.broadcast %add3A_9 : vector<1x2048xi32> to vector<1024x2048xi32>
      %eq3A_72 = vector.broadcast %broadcast_in_dim3A_70 : vector<1024x1xi32> to vector<1024x2048xi32>
      %eq3A_73 = arith.cmpi eq, %eq3A_71, %eq3A_72 : vector<1024x2048xi32>
      %jit3A_74 = arith.constant 0xFF800000 : f32
      %broadcast_in_dim3A_75 = vector.broadcast %jit3A_74 : f32 to vector<1024x2048xf32>
      %select_n3A_76 = arith.select %eq3A_73, %broadcast_in_dim3A_75, %get3A_52 : vector<1024x2048xi1>, vector<1024x2048xf32>
      %swap3A_77 = arith.constant 0 : index
      %swap3A_78 = arith.constant 0 : index
      %swap3A_79 = vector.load %arg6[%swap3A_77, %swap3A_78] : memref<1024x2048xf32, #tpu.memory_space<vmem>>, vector<1024x2048xf32>
      tpu.vector_store %arg6[%swap3A_77, %swap3A_78], %select_n3A_76 {strides = array<i32>} : memref<1024x2048xf32, #tpu.memory_space<vmem>>, vector<1024x2048xf32>,
      %slice3A = vector.extract_strided_slice %get3A_55 {offsets = [0, 11], sizes = [1024, 1], strides = [1, 1]} : vector<1024x12xf32> to vector<1024x1xf32>
      %gt3A_80 = arith.cmpf ogt, %broadcast_in_dim3A_61, %slice3A : vector<1024x1xf32>
      %ge3A = vector.broadcast %broadcast_in_dim3A_61 : vector<1024x1xf32> to vector<1024x12xf32>
      %ge3A_81 = arith.cmpf oge, %get3A_55, %ge3A : vector<1024x12xf32>
      %convert_element_type3A_82 = arith.extui %ge3A_81 : vector<1024x12xi1> to vector<1024x12xi32>
      %reduce_sum3A_83 = arith.constant dense<0> : vector<1024xi32>
      %reduce_sum3A_84 = vector.multi_reduction <add>, %convert_element_type3A_82, %reduce_sum3A_83 [1] : vector<1024x12xi32> to vector<1024xi32>
      %broadcast_in_dim3A_85 = vector.shape_cast %reduce_sum3A_84 : vector<1024xi32> to vector<1024x1xi32>
      %slice3A_86 = vector.extract_strided_slice %get3A_55 {offsets = [0, 0], sizes = [1024, 1], strides = [1, 1]} : vector<1024x12xf32> to vector<1024x1xf32>
      %slice3A_87 = vector.extract_strided_slice %get3A_55 {offsets = [0, 0], sizes = [1024, 11], strides = [1, 1]} : vector<1024x12xf32> to vector<1024x11xf32>
      %concatenate3A = tpu.concatenate %slice3A_86, %slice3A_87 in 1 : vector<1024x1xf32>, vector<1024x11xf32> -> vector<1024x12xf32>
      %slice3A_88 = vector.extract_strided_slice %get3A_58 {offsets = [0, 0], sizes = [1024, 1], strides = [1, 1]} : vector<1024x12xi32> to vector<1024x1xi32>
      %slice3A_89 = vector.extract_strided_slice %get3A_58 {offsets = [0, 0], sizes = [1024, 11], strides = [1, 1]} : vector<1024x12xi32> to vector<1024x11xi32>
      %concatenate3A_90 = tpu.concatenate %slice3A_88, %slice3A_89 in 1 : vector<1024x1xi32>, vector<1024x11xi32> -> vector<1024x12xi32>
      %lt3A_91 = vector.broadcast %iota3A_28 : vector<1x12xi32> to vector<1024x12xi32>
      %lt3A_92 = vector.broadcast %broadcast_in_dim3A_85 : vector<1024x1xi32> to vector<1024x12xi32>
      %lt3A_93 = arith.cmpi slt, %lt3A_91, %lt3A_92 : vector<1024x12xi32>
      %eq3A_94 = vector.broadcast %iota3A_28 : vector<1x12xi32> to vector<1024x12xi32>
      %eq3A_95 = vector.broadcast %broadcast_in_dim3A_85 : vector<1024x1xi32> to vector<1024x12xi32>
      %eq3A_96 = arith.cmpi eq, %eq3A_94, %eq3A_95 : vector<1024x12xi32>
      %broadcast_in_dim3A_97 = vector.shape_cast %broadcast_in_dim3A_61 : vector<1024x1xf32> to vector<1024x1xf32>
      %broadcast_in_dim3A_98 = vector.broadcast %broadcast_in_dim3A_97 : vector<1024x1xf32> to vector<1024x12xf32>
      %select_n3A_99 = arith.select %eq3A_96, %broadcast_in_dim3A_98, %concatenate3A : vector<1024x12xi1>, vector<1024x12xf32>
      %select_n3A_100 = arith.select %lt3A_93, %get3A_55, %select_n3A_99 : vector<1024x12xi1>, vector<1024x12xf32>
      %lt3A_101 = vector.broadcast %iota3A_28 : vector<1x12xi32> to vector<1024x12xi32>
      %lt3A_102 = vector.broadcast %broadcast_in_dim3A_85 : vector<1024x1xi32> to vector<1024x12xi32>
      %lt3A_103 = arith.cmpi slt, %lt3A_101, %lt3A_102 : vector<1024x12xi32>
      %eq3A_104 = vector.broadcast %iota3A_28 : vector<1x12xi32> to vector<1024x12xi32>
      %eq3A_105 = vector.broadcast %broadcast_in_dim3A_85 : vector<1024x1xi32> to vector<1024x12xi32>
      %eq3A_106 = arith.cmpi eq, %eq3A_104, %eq3A_105 : vector<1024x12xi32>
      %broadcast_in_dim3A_107 = vector.shape_cast %broadcast_in_dim3A_70 : vector<1024x1xi32> to vector<1024x1xi32>
      %broadcast_in_dim3A_108 = vector.broadcast %broadcast_in_dim3A_107 : vector<1024x1xi32> to vector<1024x12xi32>
      %select_n3A_109 = arith.select %eq3A_106, %broadcast_in_dim3A_108, %concatenate3A_90 : vector<1024x12xi1>, vector<1024x12xi32>
      %select_n3A_110 = arith.select %lt3A_103, %get3A_58, %select_n3A_109 : vector<1024x12xi1>, vector<1024x12xi32>
      %broadcast_in_dim3A_111 = vector.shape_cast %gt3A_80 : vector<1024x1xi1> to vector<1024x1xi1>
      %broadcast_in_dim3A_112 = vector.broadcast %broadcast_in_dim3A_111 : vector<1024x1xi1> to vector<1024x12xi1>
      %select_n3A_113 = arith.select %broadcast_in_dim3A_112, %select_n3A_100, %get3A_55 : vector<1024x12xi1>, vector<1024x12xf32>
      %swap3A_114 = arith.constant 0 : index
      %swap3A_115 = arith.constant 0 : index
      %swap3A_116 = vector.load %arg4[%swap3A_114, %swap3A_115] : memref<1024x12xf32, #tpu.memory_space<vmem>>, vector<1024x12xf32>
      tpu.vector_store %arg4[%swap3A_114, %swap3A_115], %select_n3A_113 {strides = array<i32>} : memref<1024x12xf32, #tpu.memory_space<vmem>>, vector<1024x12xf32>,
      %broadcast_in_dim3A_117 = vector.shape_cast %gt3A_80 : vector<1024x1xi1> to vector<1024x1xi1>
      %broadcast_in_dim3A_118 = vector.broadcast %broadcast_in_dim3A_117 : vector<1024x1xi1> to vector<1024x12xi1>
      %select_n3A_119 = arith.select %broadcast_in_dim3A_118, %select_n3A_110, %get3A_58 : vector<1024x12xi1>, vector<1024x12xi32>
      %swap3A_120 = arith.constant 0 : index
      %swap3A_121 = arith.constant 0 : index
      %swap3A_122 = vector.load %arg5[%swap3A_120, %swap3A_121] : memref<1024x12xi32, #tpu.memory_space<vmem>>, vector<1024x12xi32>
      tpu.vector_store %arg5[%swap3A_120, %swap3A_121], %select_n3A_119 {strides = array<i32>} : memref<1024x12xi32, #tpu.memory_space<vmem>>, vector<1024x12xi32>,
    }
    %get3A_38 = arith.constant 0 : index
    %get3A_39 = arith.constant 0 : index
    %get3A_40 = vector.load %arg4[%get3A_38, %get3A_39] : memref<1024x12xf32, #tpu.memory_space<vmem>>, vector<1024x12xf32>
    %get3A_41 = arith.constant 0 : index
    %get3A_42 = arith.constant 0 : index
    %get3A_43 = vector.load %arg5[%get3A_41, %get3A_42] : memref<1024x12xi32, #tpu.memory_space<vmem>>, vector<1024x12xi32>
    %eq3A_44 = arith.constant 48 : i32
    %eq3A_45 = arith.cmpi eq, %arg0, %eq3A_44 : i32
    %convert_element_type3A_46 = arith.extui %eq3A_45 : i1 to i32
    %cond3A_47 = arith.constant 0 : i32
    %cond3A_48 = arith.cmpi ne, %convert_element_type3A_46, %cond3A_47 : i32
    scf.if %cond3A_48 {
      %slice3A = vector.extract_strided_slice %get3A_40 {offsets = [0, 0], sizes = [1024, 1], strides = [1, 1]} : vector<1024x12xf32> to vector<1024x1xf32>
      %sub3A = vector.broadcast %slice3A : vector<1024x1xf32> to vector<1024x12xf32>
      %sub3A_49 = arith.subf %get3A_40, %sub3A : vector<1024x12xf32>
      %exp3A = math.exp %sub3A_49 : vector<1024x12xf32>
      %bitcast_convert_type3A = tpu.bitcast %exp3A : vector<1024x12xf32> -> vector<1024x12xi32>
      %broadcast_in_dim3A_50 = arith.constant true
      %broadcast_in_dim3A_51 = vector.broadcast %broadcast_in_dim3A_50 : i1 to vector<1024x12xi1>
      %jit3A_52 = arith.constant -2147483647 : i32
      %broadcast_in_dim3A_53 = vector.broadcast %jit3A_52 : i32 to vector<1024x12xi32>
      %select_n3A_54 = arith.select %broadcast_in_dim3A_51, %bitcast_convert_type3A, %broadcast_in_dim3A_53 : vector<1024x12xi1>, vector<1024x12xi32>
      %reduce_max3A_55 = arith.constant dense<-2147483648> : vector<1024xi32>
      %reduce_max3A_56 = vector.multi_reduction <maxsi>, %select_n3A_54, %reduce_max3A_55 [1] : vector<1024x12xi32> to vector<1024xi32>
      %broadcast_in_dim3A_57 = vector.shape_cast %reduce_max3A_56 : vector<1024xi32> to vector<1024x1xi32>
      %sub3A_58 = arith.constant 1 : i32
      %sub3A_59 = vector.broadcast %sub3A_58 : i32 to vector<1024x1xi32>
      %sub3A_60 = arith.subi %broadcast_in_dim3A_57, %sub3A_59 : vector<1024x1xi32>
      %ge3A = vector.broadcast %sub3A_60 : vector<1024x1xi32> to vector<1024x12xi32>
      %ge3A_61 = arith.cmpi sge, %select_n3A_54, %ge3A : vector<1024x12xi32>
      %and3A = arith.andi %broadcast_in_dim3A_51, %ge3A_61 : vector<1024x12xi1>
      %jit3A_62 = arith.constant 2147483647 : i32
      %broadcast_in_dim3A_63 = vector.broadcast %jit3A_62 : i32 to vector<1024x12xi32>
      %select_n3A_64 = arith.select %and3A, %get3A_43, %broadcast_in_dim3A_63 : vector<1024x12xi1>, vector<1024x12xi32>
      %reduce_min3A = arith.constant dense<2147483647> : vector<1024xi32>
      %reduce_min3A_65 = vector.multi_reduction <minsi>, %select_n3A_64, %reduce_min3A [1] : vector<1024x12xi32> to vector<1024xi32>
      %broadcast_in_dim3A_66 = vector.shape_cast %reduce_min3A_65 : vector<1024xi32> to vector<1024x1xi32>
      %ne3A = vector.broadcast %broadcast_in_dim3A_66 : vector<1024x1xi32> to vector<1024x12xi32>
      %ne3A_67 = arith.cmpi ne, %get3A_43, %ne3A : vector<1024x12xi32>
      %and3A_68 = arith.andi %broadcast_in_dim3A_51, %ne3A_67 : vector<1024x12xi1>
      %jit3A_69 = arith.constant -2147483647 : i32
      %broadcast_in_dim3A_70 = vector.broadcast %jit3A_69 : i32 to vector<1024x12xi32>
      %select_n3A_71 = arith.select %and3A_68, %bitcast_convert_type3A, %broadcast_in_dim3A_70 : vector<1024x12xi1>, vector<1024x12xi32>
      %reduce_max3A_72 = arith.constant dense<-2147483648> : vector<1024xi32>
      %reduce_max3A_73 = vector.multi_reduction <maxsi>, %select_n3A_71, %reduce_max3A_72 [1] : vector<1024x12xi32> to vector<1024xi32>
      %broadcast_in_dim3A_74 = vector.shape_cast %reduce_max3A_73 : vector<1024xi32> to vector<1024x1xi32>
      %sub3A_75 = arith.constant 1 : i32
      %sub3A_76 = vector.broadcast %sub3A_75 : i32 to vector<1024x1xi32>
      %sub3A_77 = arith.subi %broadcast_in_dim3A_74, %sub3A_76 : vector<1024x1xi32>
      %ge3A_78 = vector.broadcast %sub3A_77 : vector<1024x1xi32> to vector<1024x12xi32>
      %ge3A_79 = arith.cmpi sge, %select_n3A_71, %ge3A_78 : vector<1024x12xi32>
      %and3A_80 = arith.andi %and3A_68, %ge3A_79 : vector<1024x12xi1>
      %jit3A_81 = arith.constant 2147483647 : i32
      %broadcast_in_dim3A_82 = vector.broadcast %jit3A_81 : i32 to vector<1024x12xi32>
      %select_n3A_83 = arith.select %and3A_80, %get3A_43, %broadcast_in_dim3A_82 : vector<1024x12xi1>, vector<1024x12xi32>
      %reduce_min3A_84 = arith.constant dense<2147483647> : vector<1024xi32>
      %reduce_min3A_85 = vector.multi_reduction <minsi>, %select_n3A_83, %reduce_min3A_84 [1] : vector<1024x12xi32> to vector<1024xi32>
      %broadcast_in_dim3A_86 = vector.shape_cast %reduce_min3A_85 : vector<1024xi32> to vector<1024x1xi32>
      %ne3A_87 = vector.broadcast %broadcast_in_dim3A_86 : vector<1024x1xi32> to vector<1024x12xi32>
      %ne3A_88 = arith.cmpi ne, %get3A_43, %ne3A_87 : vector<1024x12xi32>
      %and3A_89 = arith.andi %and3A_68, %ne3A_88 : vector<1024x12xi1>
      %jit3A_90 = arith.constant -2147483647 : i32
      %broadcast_in_dim3A_91 = vector.broadcast %jit3A_90 : i32 to vector<1024x12xi32>
      %select_n3A_92 = arith.select %and3A_89, %bitcast_convert_type3A, %broadcast_in_dim3A_91 : vector<1024x12xi1>, vector<1024x12xi32>
      %reduce_max3A_93 = arith.constant dense<-2147483648> : vector<1024xi32>
      %reduce_max3A_94 = vector.multi_reduction <maxsi>, %select_n3A_92, %reduce_max3A_93 [1] : vector<1024x12xi32> to vector<1024xi32>
      %broadcast_in_dim3A_95 = vector.shape_cast %reduce_max3A_94 : vector<1024xi32> to vector<1024x1xi32>
      %sub3A_96 = arith.constant 1 : i32
      %sub3A_97 = vector.broadcast %sub3A_96 : i32 to vector<1024x1xi32>
      %sub3A_98 = arith.subi %broadcast_in_dim3A_95, %sub3A_97 : vector<1024x1xi32>
      %ge3A_99 = vector.broadcast %sub3A_98 : vector<1024x1xi32> to vector<1024x12xi32>
      %ge3A_100 = arith.cmpi sge, %select_n3A_92, %ge3A_99 : vector<1024x12xi32>
      %and3A_101 = arith.andi %and3A_89, %ge3A_100 : vector<1024x12xi1>
      %jit3A_102 = arith.constant 2147483647 : i32
      %broadcast_in_dim3A_103 = vector.broadcast %jit3A_102 : i32 to vector<1024x12xi32>
      %select_n3A_104 = arith.select %and3A_101, %get3A_43, %broadcast_in_dim3A_103 : vector<1024x12xi1>, vector<1024x12xi32>
      %reduce_min3A_105 = arith.constant dense<2147483647> : vector<1024xi32>
      %reduce_min3A_106 = vector.multi_reduction <minsi>, %select_n3A_104, %reduce_min3A_105 [1] : vector<1024x12xi32> to vector<1024xi32>
      %broadcast_in_dim3A_107 = vector.shape_cast %reduce_min3A_106 : vector<1024xi32> to vector<1024x1xi32>
      %ne3A_108 = vector.broadcast %broadcast_in_dim3A_107 : vector<1024x1xi32> to vector<1024x12xi32>
      %ne3A_109 = arith.cmpi ne, %get3A_43, %ne3A_108 : vector<1024x12xi32>
      %and3A_110 = arith.andi %and3A_89, %ne3A_109 : vector<1024x12xi1>
      %jit3A_111 = arith.constant -2147483647 : i32
      %broadcast_in_dim3A_112 = vector.broadcast %jit3A_111 : i32 to vector<1024x12xi32>
      %select_n3A_113 = arith.select %and3A_110, %bitcast_convert_type3A, %broadcast_in_dim3A_112 : vector<1024x12xi1>, vector<1024x12xi32>
      %reduce_max3A_114 = arith.constant dense<-2147483648> : vector<1024xi32>
      %reduce_max3A_115 = vector.multi_reduction <maxsi>, %select_n3A_113, %reduce_max3A_114 [1] : vector<1024x12xi32> to vector<1024xi32>
      %broadcast_in_dim3A_116 = vector.shape_cast %reduce_max3A_115 : vector<1024xi32> to vector<1024x1xi32>
      %sub3A_117 = arith.constant 1 : i32
      %sub3A_118 = vector.broadcast %sub3A_117 : i32 to vector<1024x1xi32>
      %sub3A_119 = arith.subi %broadcast_in_dim3A_116, %sub3A_118 : vector<1024x1xi32>
      %ge3A_120 = vector.broadcast %sub3A_119 : vector<1024x1xi32> to vector<1024x12xi32>
      %ge3A_121 = arith.cmpi sge, %select_n3A_113, %ge3A_120 : vector<1024x12xi32>
      %and3A_122 = arith.andi %and3A_110, %ge3A_121 : vector<1024x12xi1>
      %jit3A_123 = arith.constant 2147483647 : i32
      %broadcast_in_dim3A_124 = vector.broadcast %jit3A_123 : i32 to vector<1024x12xi32>
      %select_n3A_125 = arith.select %and3A_122, %get3A_43, %broadcast_in_dim3A_124 : vector<1024x12xi1>, vector<1024x12xi32>
      %reduce_min3A_126 = arith.constant dense<2147483647> : vector<1024xi32>
      %reduce_min3A_127 = vector.multi_reduction <minsi>, %select_n3A_125, %reduce_min3A_126 [1] : vector<1024x12xi32> to vector<1024xi32>
      %broadcast_in_dim3A_128 = vector.shape_cast %reduce_min3A_127 : vector<1024xi32> to vector<1024x1xi32>
      %ne3A_129 = vector.broadcast %broadcast_in_dim3A_128 : vector<1024x1xi32> to vector<1024x12xi32>
      %ne3A_130 = arith.cmpi ne, %get3A_43, %ne3A_129 : vector<1024x12xi32>
      %and3A_131 = arith.andi %and3A_110, %ne3A_130 : vector<1024x12xi1>
      %jit3A_132 = arith.constant -2147483647 : i32
      %broadcast_in_dim3A_133 = vector.broadcast %jit3A_132 : i32 to vector<1024x12xi32>
      %select_n3A_134 = arith.select %and3A_131, %bitcast_convert_type3A, %broadcast_in_dim3A_133 : vector<1024x12xi1>, vector<1024x12xi32>
      %reduce_max3A_135 = arith.constant dense<-2147483648> : vector<1024xi32>
      %reduce_max3A_136 = vector.multi_reduction <maxsi>, %select_n3A_134, %reduce_max3A_135 [1] : vector<1024x12xi32> to vector<1024xi32>
      %broadcast_in_dim3A_137 = vector.shape_cast %reduce_max3A_136 : vector<1024xi32> to vector<1024x1xi32>
      %sub3A_138 = arith.constant 1 : i32
      %sub3A_139 = vector.broadcast %sub3A_138 : i32 to vector<1024x1xi32>
      %sub3A_140 = arith.subi %broadcast_in_dim3A_137, %sub3A_139 : vector<1024x1xi32>
      %ge3A_141 = vector.broadcast %sub3A_140 : vector<1024x1xi32> to vector<1024x12xi32>
      %ge3A_142 = arith.cmpi sge, %select_n3A_134, %ge3A_141 : vector<1024x12xi32>
      %and3A_143 = arith.andi %and3A_131, %ge3A_142 : vector<1024x12xi1>
      %jit3A_144 = arith.constant 2147483647 : i32
      %broadcast_in_dim3A_145 = vector.broadcast %jit3A_144 : i32 to vector<1024x12xi32>
      %select_n3A_146 = arith.select %and3A_143, %get3A_43, %broadcast_in_dim3A_145 : vector<1024x12xi1>, vector<1024x12xi32>
      %reduce_min3A_147 = arith.constant dense<2147483647> : vector<1024xi32>
      %reduce_min3A_148 = vector.multi_reduction <minsi>, %select_n3A_146, %reduce_min3A_147 [1] : vector<1024x12xi32> to vector<1024xi32>
      %broadcast_in_dim3A_149 = vector.shape_cast %reduce_min3A_148 : vector<1024xi32> to vector<1024x1xi32>
      %ne3A_150 = vector.broadcast %broadcast_in_dim3A_149 : vector<1024x1xi32> to vector<1024x12xi32>
      %ne3A_151 = arith.cmpi ne, %get3A_43, %ne3A_150 : vector<1024x12xi32>
      %and3A_152 = arith.andi %and3A_131, %ne3A_151 : vector<1024x12xi1>
      %jit3A_153 = arith.constant -2147483647 : i32
      %broadcast_in_dim3A_154 = vector.broadcast %jit3A_153 : i32 to vector<1024x12xi32>
      %select_n3A_155 = arith.select %and3A_152, %bitcast_convert_type3A, %broadcast_in_dim3A_154 : vector<1024x12xi1>, vector<1024x12xi32>
      %reduce_max3A_156 = arith.constant dense<-2147483648> : vector<1024xi32>
      %reduce_max3A_157 = vector.multi_reduction <maxsi>, %select_n3A_155, %reduce_max3A_156 [1] : vector<1024x12xi32> to vector<1024xi32>
      %broadcast_in_dim3A_158 = vector.shape_cast %reduce_max3A_157 : vector<1024xi32> to vector<1024x1xi32>
      %sub3A_159 = arith.constant 1 : i32
      %sub3A_160 = vector.broadcast %sub3A_159 : i32 to vector<1024x1xi32>
      %sub3A_161 = arith.subi %broadcast_in_dim3A_158, %sub3A_160 : vector<1024x1xi32>
      %ge3A_162 = vector.broadcast %sub3A_161 : vector<1024x1xi32> to vector<1024x12xi32>
      %ge3A_163 = arith.cmpi sge, %select_n3A_155, %ge3A_162 : vector<1024x12xi32>
      %and3A_164 = arith.andi %and3A_152, %ge3A_163 : vector<1024x12xi1>
      %jit3A_165 = arith.constant 2147483647 : i32
      %broadcast_in_dim3A_166 = vector.broadcast %jit3A_165 : i32 to vector<1024x12xi32>
      %select_n3A_167 = arith.select %and3A_164, %get3A_43, %broadcast_in_dim3A_166 : vector<1024x12xi1>, vector<1024x12xi32>
      %reduce_min3A_168 = arith.constant dense<2147483647> : vector<1024xi32>
      %reduce_min3A_169 = vector.multi_reduction <minsi>, %select_n3A_167, %reduce_min3A_168 [1] : vector<1024x12xi32> to vector<1024xi32>
      %broadcast_in_dim3A_170 = vector.shape_cast %reduce_min3A_169 : vector<1024xi32> to vector<1024x1xi32>
      %ne3A_171 = vector.broadcast %broadcast_in_dim3A_170 : vector<1024x1xi32> to vector<1024x12xi32>
      %ne3A_172 = arith.cmpi ne, %get3A_43, %ne3A_171 : vector<1024x12xi32>
      %and3A_173 = arith.andi %and3A_152, %ne3A_172 : vector<1024x12xi1>
      %jit3A_174 = arith.constant -2147483647 : i32
      %broadcast_in_dim3A_175 = vector.broadcast %jit3A_174 : i32 to vector<1024x12xi32>
      %select_n3A_176 = arith.select %and3A_173, %bitcast_convert_type3A, %broadcast_in_dim3A_175 : vector<1024x12xi1>, vector<1024x12xi32>
      %reduce_max3A_177 = arith.constant dense<-2147483648> : vector<1024xi32>
      %reduce_max3A_178 = vector.multi_reduction <maxsi>, %select_n3A_176, %reduce_max3A_177 [1] : vector<1024x12xi32> to vector<1024xi32>
      %broadcast_in_dim3A_179 = vector.shape_cast %reduce_max3A_178 : vector<1024xi32> to vector<1024x1xi32>
      %sub3A_180 = arith.constant 1 : i32
      %sub3A_181 = vector.broadcast %sub3A_180 : i32 to vector<1024x1xi32>
      %sub3A_182 = arith.subi %broadcast_in_dim3A_179, %sub3A_181 : vector<1024x1xi32>
      %ge3A_183 = vector.broadcast %sub3A_182 : vector<1024x1xi32> to vector<1024x12xi32>
      %ge3A_184 = arith.cmpi sge, %select_n3A_176, %ge3A_183 : vector<1024x12xi32>
      %and3A_185 = arith.andi %and3A_173, %ge3A_184 : vector<1024x12xi1>
      %jit3A_186 = arith.constant 2147483647 : i32
      %broadcast_in_dim3A_187 = vector.broadcast %jit3A_186 : i32 to vector<1024x12xi32>
      %select_n3A_188 = arith.select %and3A_185, %get3A_43, %broadcast_in_dim3A_187 : vector<1024x12xi1>, vector<1024x12xi32>
      %reduce_min3A_189 = arith.constant dense<2147483647> : vector<1024xi32>
      %reduce_min3A_190 = vector.multi_reduction <minsi>, %select_n3A_188, %reduce_min3A_189 [1] : vector<1024x12xi32> to vector<1024xi32>
      %broadcast_in_dim3A_191 = vector.shape_cast %reduce_min3A_190 : vector<1024xi32> to vector<1024x1xi32>
      %ne3A_192 = vector.broadcast %broadcast_in_dim3A_191 : vector<1024x1xi32> to vector<1024x12xi32>
      %ne3A_193 = arith.cmpi ne, %get3A_43, %ne3A_192 : vector<1024x12xi32>
      %and3A_194 = arith.andi %and3A_173, %ne3A_193 : vector<1024x12xi1>
      %jit3A_195 = arith.constant -2147483647 : i32
      %broadcast_in_dim3A_196 = vector.broadcast %jit3A_195 : i32 to vector<1024x12xi32>
      %select_n3A_197 = arith.select %and3A_194, %bitcast_convert_type3A, %broadcast_in_dim3A_196 : vector<1024x12xi1>, vector<1024x12xi32>
      %reduce_max3A_198 = arith.constant dense<-2147483648> : vector<1024xi32>
      %reduce_max3A_199 = vector.multi_reduction <maxsi>, %select_n3A_197, %reduce_max3A_198 [1] : vector<1024x12xi32> to vector<1024xi32>
      %broadcast_in_dim3A_200 = vector.shape_cast %reduce_max3A_199 : vector<1024xi32> to vector<1024x1xi32>
      %sub3A_201 = arith.constant 1 : i32
      %sub3A_202 = vector.broadcast %sub3A_201 : i32 to vector<1024x1xi32>
      %sub3A_203 = arith.subi %broadcast_in_dim3A_200, %sub3A_202 : vector<1024x1xi32>
      %ge3A_204 = vector.broadcast %sub3A_203 : vector<1024x1xi32> to vector<1024x12xi32>
      %ge3A_205 = arith.cmpi sge, %select_n3A_197, %ge3A_204 : vector<1024x12xi32>
      %and3A_206 = arith.andi %and3A_194, %ge3A_205 : vector<1024x12xi1>
      %jit3A_207 = arith.constant 2147483647 : i32
      %broadcast_in_dim3A_208 = vector.broadcast %jit3A_207 : i32 to vector<1024x12xi32>
      %select_n3A_209 = arith.select %and3A_206, %get3A_43, %broadcast_in_dim3A_208 : vector<1024x12xi1>, vector<1024x12xi32>
      %reduce_min3A_210 = arith.constant dense<2147483647> : vector<1024xi32>
      %reduce_min3A_211 = vector.multi_reduction <minsi>, %select_n3A_209, %reduce_min3A_210 [1] : vector<1024x12xi32> to vector<1024xi32>
      %broadcast_in_dim3A_212 = vector.shape_cast %reduce_min3A_211 : vector<1024xi32> to vector<1024x1xi32>
      %concatenate3A = tpu.concatenate %broadcast_in_dim3A_66, %broadcast_in_dim3A_86, %broadcast_in_dim3A_107, %broadcast_in_dim3A_128, %broadcast_in_dim3A_149, %broadcast_in_dim3A_170, %broadcast_in_dim3A_191, %broadcast_in_dim3A_212 in 1 : vector<1024x1xi32>, vector<1024x1xi32>, vector<1024x1xi32>, vector<1024x1xi32>, vector<1024x1xi32>, vector<1024x1xi32>, vector<1024x1xi32>, vector<1024x1xi32> -> vector<1024x8xi32>
      %swap3A_213 = arith.constant 0 : index
      %swap3A_214 = arith.constant 0 : index
      %swap3A_215 = vector.load %arg3[%swap3A_213, %swap3A_214] : memref<1024x8xi32, #tpu.memory_space<vmem>>, vector<1024x8xi32>
      tpu.vector_store %arg3[%swap3A_213, %swap3A_214], %concatenate3A {strides = array<i32>} : memref<1024x8xi32, #tpu.memory_space<vmem>>, vector<1024x8xi32>,
    } else {
    }
    return
  }
  func.func @transform_0(%arg0: i32) -> (i32, i32) {
    %c0_i32 = arith.constant 0 : i32
    %c0_i32_0 = arith.constant 0 : i32
    %c0_i32_1 = arith.constant 0 : i32
    return %c0_i32, %c0_i32_0 : i32, i32
  }
  func.func @transform_1(%arg0: i32) -> (i32, i32) {
    %c0_i32 = arith.constant 0 : i32
    %c0_i32_0 = arith.constant 0 : i32
    return %arg0, %c0_i32 : i32, i32
  }
  func.func @transform_2(%arg0: i32) -> (i32, i32) {
    %c0_i32 = arith.constant 0 : i32
    %c0_i32_0 = arith.constant 0 : i32
    %c0_i32_1 = arith.constant 0 : i32
    return %c0_i32, %c0_i32_0 : i32, i32
  }
}

</mosaic_0001>

<sc_bundles>
// kernel: kernel.6.cloned.1.call-start
scs
__scs_entry_jumppad:
0x0: {  	(pc) =	sbr.rel $0x88, $3  }
0x1: {  	(tag) =	ssettag $0x0;
	lr =	simm.s32 $0x1  }
0x2: {  	[smem:$0x3F9D] =	sst lr;
	_ =	strace $0xD0000000  }
0x3: {  	_ = 	snop  }
0x4: {  	_ = 	snop  }
0x5: {  	_ = 	snop  }
0x6: {  	_ = 	snop  }
0x7: {  	_ = 	snop  }
__scs_overlays_trampoline_lowered:
0x8: {  	[smem:$0x3FAC] =	sst s0  }
0x9: {  	[smem:$0x3FAD] =	sst s1  }
0xa: {  	[smem:$0x3FAE] =	sst s2  }
0xb: {  	[smem:$0x3FAF] =	sst s3  }
0xc: {  	[smem:$0x3FB0] =	sst s4  }
0xd: {  	[smem:$0x3FB1] =	sst s5  }
0xe: {  	[smem:$0x3FB2] =	sst s6  }
0xf: {  	[smem:$0x3FB3] =	sst s7  }
0x10: {  	[smem:$0x3FB4] =	sst s8  }
0x11: {  	[smem:$0x3FB5] =	sst s9;
	s0 =	simm.s32 @!p0 $0x0  }
0x12: {  	s1 =	sld [smem:$0x3F9B];
	s0 =	simm.s32 @p0 $0x1  }
0x13: {  	[smem:$0x3FB6] =	sst s0;
	s0 =	simm.s32 @!p1 $0x0  }
0x14: {  	s2 =	sld [smem:$0x3F9A];
	s0 =	simm.s32 @p1 $0x1  }
0x15: {  	[smem:$0x3FB7] =	sst s0;
	s0 =	simm.s32 @!p2 $0x0  }
0x16: {  	s3 =	sld [smem:$0x3FDB];
	s0 =	simm.s32 @p2 $0x1  }
0x17: {  	s4 =	simm.s32 $0x1BF5;
	[smem:$0x3FB9] =	sst s0  }
0x18: {  	s0 =	sld [smem:$0x3F9C];
	_ =	swait.ge [sflag:s4], $0x0  }
0x19: {  	s7 =	sld [smem:$0x3F9D]  }
0x1a: {  	s8 =	sadd.s32 $0xFFFFE003, lr  }
0x1b: {  	s9 =	sadd.s32 $0xFFFFFEF7, lr;
	s5 =	simm.s32 $0xFFFFFFFF;
	p2 =	slt.u32 s8, $0xFFFFF086  }
0x1c: {  	p1 =	slt.u32 s9, $0xF7A;
	s5 =	simm.s32 @!p2 $0x0  }
0x1d: {  	s5 =	simm.s32 @p1 $0x1;
	p0 =	seq.s32 s7, s2  }
0x1e: {  	s7 =	smul.u32 @!p0 $0xF7A, s2;
	p2 =	seq.s32 @!p0 s5, $0x0  }
0x1f: {  	s9 =	smul.u32 $0xF7A, s1;
	s8 =	simm.s32 @!p0 $0x1BF5;
	p2 =	por !p2, p0  }
0x20: {  	[sflag:s8] =	ssyncset.s32 @!p0 $0xFFFFF086;
	s6 =	sadd.s32 @!p0 s3, s7;
	s7 =	simm.s32 @!p0 $0x108  }
0x21: {  	s3 =	sadd.s32 s3, s9;
	s6 =	sadd.s32 @!p0 $0x88, s6;
	s7 =	simm.s32 @p2 $0x1082  }
0x22: {  	[simem:s7], [sflag:s8] =	dma.local @!p0 [hbm:s6], $0xF7A  }
0x23: {  	s9 =	sor.u32 $0xD0000000, s2;
	s6 =	simm.s32 $0x108;
	_ =	swait.ge @!p0 [sflag:s8], $0x0  }
0x24: {  	s3 =	sadd.s32 $0x88, s3;
	s6 =	simm.s32 @!p1 $0x1082;
	[sflag:s4] =	ssyncset.s32 $0xFFFFF086  }
0x25: {  	[simem:s6], [sflag:s4] =	dma.local [hbm:s3], $0xF7A  }
0x26: {  	[smem:$0x3F9D] =	sst s1;
	(tag) =	ssettag s2;
	_ =	strace s9  }
0x27: {  	s1 =	sld [smem:$0x3FAD]  }
0x28: {  	s2 =	sld [smem:$0x3FAE]  }
0x29: {  	s4 =	sld [smem:$0x3FB0]  }
0x2a: {  	p0 =	seq.s32 s5, $0x0;
	s5 =	sld [smem:$0x3FB1]  }
0x2b: {  	s6 =	sld [smem:$0x3FB2]  }
0x2c: {  	s7 =	sld [smem:$0x3FB3]  }
0x2d: {  	s3 =	simm.s32 $0x108;
	s8 =	sld [smem:$0x3FB4]  }
0x2e: {  	s3 =	simm.s32 @!p0 $0x1082;
	s9 =	sld [smem:$0x3FB5]  }
0x2f: {  	lr =	sadd.s32 s0, s3;
	s0 =	sld [smem:$0x3FAC]  }
0x30: {  	s3 =	sld [smem:$0x3FAF]  }
0x31: {  	[smem:$0x3FB8] =	sst s10  }
0x32: {  	s10 =	sld [smem:$0x3FB6];
	_ =	sdelay $0x3  }
0x33: {  	p0 =	seq.s32 s10, $0x1;
	s10 =	sld [smem:$0x3FB8];
	_ =	sdelay $0x3  }
0x34: {  	[smem:$0x3FB8] =	sst s10  }
0x35: {  	s10 =	sld [smem:$0x3FB7];
	_ =	sdelay $0x3  }
0x36: {  	p1 =	seq.s32 s10, $0x1;
	s10 =	sld [smem:$0x3FB8];
	_ =	sdelay $0x3  }
0x37: {  	[smem:$0x3FB8] =	sst s10  }
0x38: {  	s10 =	sld [smem:$0x3FB9]  }
0x39: {  	_ = 	snop;
	(pc) =	sbr.ind lr, $3  }
0x3a: {  	_ = 	snop  }
0x3b: {  	_ = 	snop  }
0x3c: {  	p2 =	seq.s32 s10, $0x1;
	s10 =	sld [smem:$0x3FB8]  }
0x3d: {  	_ =	shalt  }
0x3e: {  	_ =	shalt  }
0x3f: {  	_ =	shalt  }
0x40: {  	_ =	shalt  }
0x41: {  	_ =	shalt  }
0x42: {  	_ =	shalt  }
0x43: {  	_ =	shalt  }
0x44: {  	_ =	shalt  }
0x45: {  	_ =	shalt  }
0x46: {  	_ =	shalt  }
0x47: {  	_ =	shalt  }
0x48: {  	_ =	shalt  }
0x49: {  	_ =	shalt  }
0x4a: {  	_ =	shalt  }
0x4b: {  	_ =	shalt  }
0x4c: {  	_ =	shalt  }
0x4d: {  	_ =	shalt  }
0x4e: {  	_ =	shalt  }
0x4f: {  	_ =	shalt  }
0x50: {  	_ =	shalt  }
0x51: {  	_ =	shalt  }
0x52: {  	_ =	shalt  }
0x53: {  	_ =	shalt  }
0x54: {  	_ =	shalt  }
0x55: {  	_ =	shalt  }
0x56: {  	_ =	shalt  }
0x57: {  	_ =	shalt  }
0x58: {  	_ =	shalt  }
0x59: {  	_ =	shalt  }
0x5a: {  	_ =	shalt  }
0x5b: {  	_ =	shalt  }
0x5c: {  	_ =	shalt  }
0x5d: {  	_ =	shalt  }
0x5e: {  	_ =	shalt  }
0x5f: {  	_ =	shalt  }
0x60: {  	_ =	shalt  }
0x61: {  	_ =	shalt  }
0x62: {  	_ =	shalt  }
0x63: {  	_ =	shalt  }
0x64: {  	_ =	shalt  }
0x65: {  	_ =	shalt  }
0x66: {  	_ =	shalt  }
0x67: {  	_ =	shalt  }
0x68: {  	_ =	shalt  }
0x69: {  	_ =	shalt  }
0x6a: {  	_ =	shalt  }
0x6b: {  	_ =	shalt  }
0x6c: {  	_ =	shalt  }
0x6d: {  	_ =	shalt  }
0x6e: {  	_ =	shalt  }
0x6f: {  	_ =	shalt  }
0x70: {  	_ =	shalt  }
0x71: {  	_ =	shalt  }
0x72: {  	_ =	shalt  }
0x73: {  	_ =	shalt  }
0x74: {  	_ =	shalt  }
0x75: {  	_ =	shalt  }
0x76: {  	_ =	shalt  }
0x77: {  	_ =	shalt  }
0x78: {  	_ =	shalt  }
0x79: {  	_ =	shalt  }
0x7a: {  	_ =	shalt  }
0x7b: {  	_ =	shalt  }
0x7c: {  	_ =	shalt  }
0x7d: {  	_ =	shalt  }
0x7e: {  	_ =	shalt  }
0x7f: {  	_ =	shalt  }
0x80: {  	_ =	shalt  }
0x81: {  	_ =	shalt  }
0x82: {  	_ =	shalt  }
0x83: {  	_ =	shalt  }
0x84: {  	_ =	shalt  }
0x85: {  	_ =	shalt  }
0x86: {  	_ =	shalt  }
0x87: {  	_ =	shalt  }
.Lfunc_end0:
.L_simem_size_0:
called_computation_lowered:
.L_overlay_start_0:
0x88: {  	s2 =	sld [smem:$0x3FD9]  }
0x89: {  	s3 =	sld [smem:$0x3FFE];
	_ =	sdelay $0x1  }
0x8a: {  	s1 =	srdreg.scid  }
0x8b: {  	s0 =	sand.u32 $0x1, s1  }
0x8c: {  	s18 =	sshll.u32 s0, $0xA;
	s2 =	sadd.s32 s3, s2  }
0x8d: {  	s2 =	sadd.s32 s2, s18  }
0x8e: {  	[smem:$0x3FC4] =	sst s2  }
0x8f: {  	_ = 	snop  }
0x90: {  	s2 =	sld [smem:$0x3FC9]  }
0x91: {  	s19 =	sld [smem:$0x3FC8]  }
0x92: {  	s4 =	sld [smem:$0x3FD0];
	(tm) =	ssettm $0x1  }
0x93: {  	s5 =	sld [smem:$0x3FFB];
	_ =	sdelay $0x3  }
0x94: {  	_ =	strace s5  }
0x95: {  	s5 =	sld [smem:$0x3FFC];
	_ =	sdelay $0x3  }
0x96: {  	_ =	strace s5  }
0x97: {  	s5 =	sld [smem:$0x3FFD];
	_ =	sdelay $0x3  }
0x98: {  	_ =	strace s5  }
0x99: {  	_ =	strace $0x8FFFFFFF  }
0x9a: {  	s20 =	sld [smem:$0x3FDB];
	_ =	sdelay $0x1  }
0x9b: {  	s6 =	simm.s32 $_scs_section_size  }
0x9c: {  	s7 =	simm.s32 $_size__tile_overlayer_lowered;
	s8 =	simm.s32 $_tile_overlayer_lowered  }
0x9d: {  	s23 =	simm.s32 $0x1BFF;
	s22 =	sshll.u32 s8, $0x1;
	s5 =	sadd.s32 s6, s20  }
0x9e: {  	s9 =	simm.s32 $0x0;
	s21 =	sshll.u32 s7, $0x1;
	s7 =	sadd.s32 s22, s5  }
0x9f: {  	[timem:s9], [sflag:s23] =	dma.local [hbm:s7], s21  }
0xa0: {  	_ =	swait.ge [sflag:s23], s21  }
0xa1: {  	s6 =	ssub.s32 $0x0, s21;
	[sflag:s23] =	ssyncset.done $0x0  }
0xa2: {  	[sflag:s23] =	ssyncadd.s32 s6;
	_ =	sdelay $0x1  }
0xa3: {  	s24 =	simm.s32 $0x1B8B  }
0xa4: {  	_ =	swait.ge [sflag:s24], $0x1  }
0xa5: {  	[sflag:s24] =	ssyncset.done $0x0  }
0xa6: {  	s25 =	simm.s32 $0x1B8E;
	[sflag:s24] =	ssyncadd.s32 $0xFFFFFFFF  }
0xa7: {  	s26 =	simm.s32 $execute0_lowered;
	[smem:$0x3FD2] =	sst s25  }
0xa8: {  	s6 =	sshll.u32 s26, $0x1;
	_ =	strace $0x80000046;
	[dreg:$0x1] =	wrdreg $0xFFFFFFFF  }
0xa9: {  	s28 =	simm.s32 $_size_execute0_lowered;
	s5 =	sadd.s32 s5, s6;
	[dreg:$0x0] =	wrdreg $0x0  }
0xaa: {  	s6 =	sshll.u32 s28, $0x1;
	[dreg:$0x2] =	wrdreg s5  }
0xab: {  	[dreg:$0x3] =	wrdreg s6  }
0xac: {  	[dreg:$0x4] =	wrdreg $0xC0  }
0xad: {  	_ =	task [dreg:s9], $0x5FFFF  }
0xae: {  	[dreg:$0x1] =	wrdreg $0xFFFFFFFF  }
0xaf: {  	[dreg:$0x0] =	wrdreg $0x60  }
0xb0: {  	[dreg:$0x2] =	wrdreg s19  }
0xb1: {  	[dreg:$0x3] =	wrdreg s2  }
0xb2: {  	[dreg:$0x4] =	wrdreg s4  }
0xb3: {  	[dreg:$0x5] =	wrdreg $0x9  }
0xb4: {  	_ =	task.clear_ibuf [dreg:s9], $0x6FFFF;
	_ =	strace $0x90000046  }
0xb5: {  	s29 =	simm.s32 $0x9;
	_ =	strace $0x80000048  }
0xb6: {  	_ =	swait.ge [sflag:s29], $0x1  }
0xb7: {  	[sflag:s29] =	ssyncadd.s32 $0xFFFFFFFF  }
0xb8: {  	_ =	strace $0x90000048  }
0xb9: {  	_ =	sfence  }
0xba: {  	s30 =	sld [smem:$0x0];
	_ =	sdelay $0x2  }
0xbb: {  	s31 =	sshll.u32 s1, $0xD;
	s1 =	sshrl.u32 s1, $0x2  }
0xbc: {  	s3 =	sand.u32 $0x4000, s31;
	s1 =	sadd.s32 s1, s30  }
0xbd: {  	s0 =	sor.u32 s3, s0;
	s1 =	sshll.u32 s1, $0x11  }
0xbe: {  	s0 =	sor.u32 s1, s0  }
0xbf: {  	s0 =	sadd.s32 $0x8F2B, s0  }
0xc0: {  	[sflag:s0] =	ssyncadd.remote.s32 $0x1  }
0xc1: {  	_ =	sfence.sel $0xFFFF  }
0xc2: {  	[dreg:$0x0] =	wrdreg $0xFFFFFFFF;
	(pc) =	sbr.abs _section_cstart, $3  }
0xc3: {  	[dreg:$0x1] =	wrdreg $0xFFFFFFFF  }
0xc4: {  	_ =	task.clear_ibuf [dreg:s9], $0x2FFFF;
	_ =	strace $0x9FFFFFFF  }
0xc5: {  	(tm) =	ssettm $0x7FFFFFFF  }
tec
execute0_lowered:
.L_overlay_start_1:
0x0: {  	(tag) =	ssettag $0x1  }
0x1: {  	s1 =	rddreg [dreg:$0x0]  }
0x2: {  	s2 =	srdreg.scid;
	s4 =	rddreg [dreg:$0x1]  }
0x3: {  	s0 =	stileid.u32;
	s9 =	rddreg [dreg:$0x2];
	s6 =	sand.u32 $0x1, s2  }
0x4: {  	s3 =	simm.s32 $0x0;
	s5 =	sshll.u32 s0, $0x6;
	s7 =	sshll.u32 s6, $0x5  }
0x5: {  	[smem:$0x7FF] =	sst s3;
	s10 =	sor.u32 s7, s5  }
0x6: {  	s2 =	rddreg [dreg:$0x3];
	_ =	strace $0x80000047;
	s5 =	sshrl.u32 s10, $0x3  }
0x7: {  	s11 =	ssub.s32 $0x2, s6;
	s5 =	sadd.s32 s4, s5;
	s4 =	simm.s32 $0x2  }
0x8: {  	[tilespmem:s3], [sflag:$0x2] =	stream.linear.gather [hbm4b:s5+s3], $0x20, $0x38;
	[tilespmem:$0x1080] =	vst v63  }
0x9: {  	s8 =	simm.s32 $0x1;
	s12 =	sshrl.u32 s11, $0x1;
	_ =	swait.ge [sflag:s4], $0x20  }
0xa: {  	s6 =	simm.s32 $0x20;
	s11 =	ssub.s32 s11, s12;
	[sflag:s4] =	ssyncset.done $0x0  }
0xb: {  	s7 =	simm.s32 $0x80;
	s31 =	smax.u32 s11, $0x1;
	[sflag:s4] =	ssyncadd.s32 $0xFFFFFFE0  }
0xc: {  	[tilespmem:s7], [sflag:$0x1] =	stream.indirect.gather [hbm4b:s1+s6], $0x80, s3, s6, $0xb8;
	[tilespmem:$0x1080] =	vst v63  }
0xd: {  	p0 =	sne.s32 s31, $0x1;
	_ =	swait.ge [sflag:s8], $0x1000  }
.Ltmp0:
0xe: {  	s10 =	sshll.u32 s10, $0x4;
	[sflag:s8] =	ssyncset.done $0x0;
	(pc) =	sbr.rel @!p0 .LBB2_2-.Ltmp0, $4  }
0xf: {  	s9 =	sadd.s32 s9, s10;
	[sflag:s8] =	ssyncadd.s32 $0xFFFFF000  }
0x10: {  	[hbm4b:s9+s3] =	stream.linear.scatter [tilespmem:s7], [sflag:$0x2], $0x1000, $0x38;
	[tilespmem:$0x1080] =	vst v63  }
0x11: {  	_ =	swait.ge [sflag:s4], $0x1000  }
0x12: {  	s10 =	sadd.s32 $0xFFFFFFFF, s31;
	[sflag:s4] =	ssyncset.done $0x0  }
.LBB2_1:
0x13: {  	p0 =	sne.s32 s10, $0x1;
	s10 =	sadd.s32 $0xFFFFFFFF, s10;
	[sflag:s4] =	ssyncadd.s32 $0xFFFFF000  }
0x14: {  	[tilespmem:s3], [sflag:$0x2] =	stream.linear.gather [hbm4b:s5+s3], $0x20, $0x38;
	[tilespmem:$0x1080] =	vst v63  }
0x15: {  	_ =	swait.ge [sflag:s4], $0x20  }
0x16: {  	[sflag:s4] =	ssyncset.done $0x0  }
0x17: {  	[sflag:s4] =	ssyncadd.s32 $0xFFFFFFE0  }
0x18: {  	[tilespmem:s7], [sflag:$0x1] =	stream.indirect.gather [hbm4b:s1+s6], $0x80, s3, s6, $0xb8;
	[tilespmem:$0x1080] =	vst v63  }
0x19: {  	_ =	swait.ge [sflag:s8], $0x1000  }
.Ltmp1:
0x1a: {  	[sflag:s8] =	ssyncset.done $0x0;
	(pc) =	sbr.rel @p0 .LBB2_1-.Ltmp1, $4  }
0x1b: {  	[sflag:s8] =	ssyncadd.s32 $0xFFFFF000  }
0x1c: {  	[hbm4b:s9+s3] =	stream.linear.scatter [tilespmem:s7], [sflag:$0x2], $0x1000, $0x38;
	[tilespmem:$0x1080] =	vst v63  }
0x1d: {  	_ =	swait.ge [sflag:s4], $0x1000  }
0x1e: {  	[sflag:s4] =	ssyncset.done $0x0  }
.LBB2_2:
0x1f: {  	[sflag:s4] =	ssyncadd.s32 $0xFFFFF000  }
0x20: {  	_ =	sfence.sel $0x180000  }
0x21: {  	[bflag:$0x0] =	sbarrier.arrive $0xFFFF  }
0x22: {  	p0 =	sne.s32 s0, $0x0;
	_ =	strace $0x90000047  }
0x23: {  	s0 =	sadd.s32 @!p0 $0x100000, s2;
	[bflag:$0x2] =	sbarrier.arrive $0xFFFF  }
0x24: {  	[sflag:s0] =	ssyncadd.tile.s32 @!p0 $0x1;
	_ =	shalt  }
.Lfunc_end2:
_tile_overlayer_lowered:
.L_overlay_start_2:
0x25: {  	(tag) =	ssettag $0x2  }
0x26: {  	s0 =	rddreg [dreg:$0x0];
	s2 =	stileid.u32  }
0x27: {  	s1 =	rddreg [dreg:$0x1];
	p0 =	sne.s32 s2, $0x0  }
0x28: {  	s3 =	rddreg [dreg:$0x2];
	[bflag:$0x3] =	sbarrier.arrive $0xFFFF;
	s2 =	simm.s32 @!p0 $0x1C02  }
0x29: {  	[timem:s3], [sflag:s2] =	dma.local @!p0 [hbm:s0], s1  }
0x2a: {  	s0 =	simm.s32 @!p0 $0x2  }
0x2b: {  	_ =	swait.ge @!p0 [sflag:s0], s1  }
0x2c: {  	s1 =	ssub.s32 @!p0 $0x0, s1;
	[sflag:s0] =	ssyncset.done @!p0 $0x0  }
0x2d: {  	[sflag:s0] =	ssyncadd.s32 @!p0 s1  }
0x2e: {  	[bflag:$0x3] =	sbarrier.arrive $0xFFFF  }
0x2f: {  	_ =	shalt  }

// kernel: kernel.9.cloned.1.call-start
scs
__scs_entry_jumppad:
0x0: {  	(pc) =	sbr.rel $0x88, $3  }
0x1: {  	(tag) =	ssettag $0x0;
	lr =	simm.s32 $0x1  }
0x2: {  	[smem:$0x3F9D] =	sst lr;
	_ =	strace $0xD0000000  }
0x3: {  	_ = 	snop  }
0x4: {  	_ = 	snop  }
0x5: {  	_ = 	snop  }
0x6: {  	_ = 	snop  }
0x7: {  	_ = 	snop  }
__scs_overlays_trampoline_lowered:
0x8: {  	[smem:$0x3FAC] =	sst s0  }
0x9: {  	[smem:$0x3FAD] =	sst s1  }
0xa: {  	[smem:$0x3FAE] =	sst s2  }
0xb: {  	[smem:$0x3FAF] =	sst s3  }
0xc: {  	[smem:$0x3FB0] =	sst s4  }
0xd: {  	[smem:$0x3FB1] =	sst s5  }
0xe: {  	[smem:$0x3FB2] =	sst s6  }
0xf: {  	[smem:$0x3FB3] =	sst s7  }
0x10: {  	[smem:$0x3FB4] =	sst s8  }
0x11: {  	[smem:$0x3FB5] =	sst s9;
	s0 =	simm.s32 @!p0 $0x0  }
0x12: {  	s1 =	sld [smem:$0x3F9B];
	s0 =	simm.s32 @p0 $0x1  }
0x13: {  	[smem:$0x3FB6] =	sst s0;
	s0 =	simm.s32 @!p1 $0x0  }
0x14: {  	s2 =	sld [smem:$0x3F9A];
	s0 =	simm.s32 @p1 $0x1  }
0x15: {  	[smem:$0x3FB7] =	sst s0;
	s0 =	simm.s32 @!p2 $0x0  }
0x16: {  	s3 =	sld [smem:$0x3FDB];
	s0 =	simm.s32 @p2 $0x1  }
0x17: {  	s4 =	simm.s32 $0x1BF5;
	[smem:$0x3FB9] =	sst s0  }
0x18: {  	s0 =	sld [smem:$0x3F9C];
	_ =	swait.ge [sflag:s4], $0x0  }
0x19: {  	s7 =	sld [smem:$0x3F9D]  }
0x1a: {  	s8 =	sadd.s32 $0xFFFFE003, lr  }
0x1b: {  	s9 =	sadd.s32 $0xFFFFFEF7, lr;
	s5 =	simm.s32 $0xFFFFFFFF;
	p2 =	slt.u32 s8, $0xFFFFF086  }
0x1c: {  	p1 =	slt.u32 s9, $0xF7A;
	s5 =	simm.s32 @!p2 $0x0  }
0x1d: {  	s5 =	simm.s32 @p1 $0x1;
	p0 =	seq.s32 s7, s2  }
0x1e: {  	s7 =	smul.u32 @!p0 $0xF7A, s2;
	p2 =	seq.s32 @!p0 s5, $0x0  }
0x1f: {  	s9 =	smul.u32 $0xF7A, s1;
	s8 =	simm.s32 @!p0 $0x1BF5;
	p2 =	por !p2, p0  }
0x20: {  	[sflag:s8] =	ssyncset.s32 @!p0 $0xFFFFF086;
	s6 =	sadd.s32 @!p0 s3, s7;
	s7 =	simm.s32 @!p0 $0x108  }
0x21: {  	s3 =	sadd.s32 s3, s9;
	s6 =	sadd.s32 @!p0 $0x88, s6;
	s7 =	simm.s32 @p2 $0x1082  }
0x22: {  	[simem:s7], [sflag:s8] =	dma.local @!p0 [hbm:s6], $0xF7A  }
0x23: {  	s9 =	sor.u32 $0xD0000000, s2;
	s6 =	simm.s32 $0x108;
	_ =	swait.ge @!p0 [sflag:s8], $0x0  }
0x24: {  	s3 =	sadd.s32 $0x88, s3;
	s6 =	simm.s32 @!p1 $0x1082;
	[sflag:s4] =	ssyncset.s32 $0xFFFFF086  }
0x25: {  	[simem:s6], [sflag:s4] =	dma.local [hbm:s3], $0xF7A  }
0x26: {  	[smem:$0x3F9D] =	sst s1;
	(tag) =	ssettag s2;
	_ =	strace s9  }
0x27: {  	s1 =	sld [smem:$0x3FAD]  }
0x28: {  	s2 =	sld [smem:$0x3FAE]  }
0x29: {  	s4 =	sld [smem:$0x3FB0]  }
0x2a: {  	p0 =	seq.s32 s5, $0x0;
	s5 =	sld [smem:$0x3FB1]  }
0x2b: {  	s6 =	sld [smem:$0x3FB2]  }
0x2c: {  	s7 =	sld [smem:$0x3FB3]  }
0x2d: {  	s3 =	simm.s32 $0x108;
	s8 =	sld [smem:$0x3FB4]  }
0x2e: {  	s3 =	simm.s32 @!p0 $0x1082;
	s9 =	sld [smem:$0x3FB5]  }
0x2f: {  	lr =	sadd.s32 s0, s3;
	s0 =	sld [smem:$0x3FAC]  }
0x30: {  	s3 =	sld [smem:$0x3FAF]  }
0x31: {  	[smem:$0x3FB8] =	sst s10  }
0x32: {  	s10 =	sld [smem:$0x3FB6];
	_ =	sdelay $0x3  }
0x33: {  	p0 =	seq.s32 s10, $0x1;
	s10 =	sld [smem:$0x3FB8];
	_ =	sdelay $0x3  }
0x34: {  	[smem:$0x3FB8] =	sst s10  }
0x35: {  	s10 =	sld [smem:$0x3FB7];
	_ =	sdelay $0x3  }
0x36: {  	p1 =	seq.s32 s10, $0x1;
	s10 =	sld [smem:$0x3FB8];
	_ =	sdelay $0x3  }
0x37: {  	[smem:$0x3FB8] =	sst s10  }
0x38: {  	s10 =	sld [smem:$0x3FB9]  }
0x39: {  	_ = 	snop;
	(pc) =	sbr.ind lr, $3  }
0x3a: {  	_ = 	snop  }
0x3b: {  	_ = 	snop  }
0x3c: {  	p2 =	seq.s32 s10, $0x1;
	s10 =	sld [smem:$0x3FB8]  }
0x3d: {  	_ =	shalt  }
0x3e: {  	_ =	shalt  }
0x3f: {  	_ =	shalt  }
0x40: {  	_ =	shalt  }
0x41: {  	_ =	shalt  }
0x42: {  	_ =	shalt  }
0x43: {  	_ =	shalt  }
0x44: {  	_ =	shalt  }
0x45: {  	_ =	shalt  }
0x46: {  	_ =	shalt  }
0x47: {  	_ =	shalt  }
0x48: {  	_ =	shalt  }
0x49: {  	_ =	shalt  }
0x4a: {  	_ =	shalt  }
0x4b: {  	_ =	shalt  }
0x4c: {  	_ =	shalt  }
0x4d: {  	_ =	shalt  }
0x4e: {  	_ =	shalt  }
0x4f: {  	_ =	shalt  }
0x50: {  	_ =	shalt  }
0x51: {  	_ =	shalt  }
0x52: {  	_ =	shalt  }
0x53: {  	_ =	shalt  }
0x54: {  	_ =	shalt  }
0x55: {  	_ =	shalt  }
0x56: {  	_ =	shalt  }
0x57: {  	_ =	shalt  }
0x58: {  	_ =	shalt  }
0x59: {  	_ =	shalt  }
0x5a: {  	_ =	shalt  }
0x5b: {  	_ =	shalt  }
0x5c: {  	_ =	shalt  }
0x5d: {  	_ =	shalt  }
0x5e: {  	_ =	shalt  }
0x5f: {  	_ =	shalt  }
0x60: {  	_ =	shalt  }
0x61: {  	_ =	shalt  }
0x62: {  	_ =	shalt  }
0x63: {  	_ =	shalt  }
0x64: {  	_ =	shalt  }
0x65: {  	_ =	shalt  }
0x66: {  	_ =	shalt  }
0x67: {  	_ =	shalt  }
0x68: {  	_ =	shalt  }
0x69: {  	_ =	shalt  }
0x6a: {  	_ =	shalt  }
0x6b: {  	_ =	shalt  }
0x6c: {  	_ =	shalt  }
0x6d: {  	_ =	shalt  }
0x6e: {  	_ =	shalt  }
0x6f: {  	_ =	shalt  }
0x70: {  	_ =	shalt  }
0x71: {  	_ =	shalt  }
0x72: {  	_ =	shalt  }
0x73: {  	_ =	shalt  }
0x74: {  	_ =	shalt  }
0x75: {  	_ =	shalt  }
0x76: {  	_ =	shalt  }
0x77: {  	_ =	shalt  }
0x78: {  	_ =	shalt  }
0x79: {  	_ =	shalt  }
0x7a: {  	_ =	shalt  }
0x7b: {  	_ =	shalt  }
0x7c: {  	_ =	shalt  }
0x7d: {  	_ =	shalt  }
0x7e: {  	_ =	shalt  }
0x7f: {  	_ =	shalt  }
0x80: {  	_ =	shalt  }
0x81: {  	_ =	shalt  }
0x82: {  	_ =	shalt  }
0x83: {  	_ =	shalt  }
0x84: {  	_ =	shalt  }
0x85: {  	_ =	shalt  }
0x86: {  	_ =	shalt  }
0x87: {  	_ =	shalt  }
.Lfunc_end0:
.L_simem_size_0:
called_computation.1_lowered:
.L_overlay_start_0:
0x88: {  	s2 =	sld [smem:$0x3FD9]  }
0x89: {  	s3 =	sld [smem:$0x3FFE];
	_ =	sdelay $0x1  }
0x8a: {  	s1 =	srdreg.scid  }
0x8b: {  	s0 =	sand.u32 $0x1, s1  }
0x8c: {  	s17 =	sshll.u32 s0, $0xA;
	s2 =	sadd.s32 s3, s2  }
0x8d: {  	s2 =	sadd.s32 s2, s17  }
0x8e: {  	[smem:$0x3FC4] =	sst s2  }
0x8f: {  	_ = 	snop  }
0x90: {  	s2 =	sld [smem:$0x3FC8]  }
0x91: {  	s18 =	sld [smem:$0x3FD0];
	(tm) =	ssettm $0x1  }
0x92: {  	s4 =	sld [smem:$0x3FFB];
	_ =	sdelay $0x3  }
0x93: {  	_ =	strace s4  }
0x94: {  	s4 =	sld [smem:$0x3FFC];
	_ =	sdelay $0x3  }
0x95: {  	_ =	strace s4  }
0x96: {  	s4 =	sld [smem:$0x3FFD];
	_ =	sdelay $0x3  }
0x97: {  	_ =	strace s4  }
0x98: {  	_ =	strace $0x8FFFFFFF  }
0x99: {  	s19 =	sld [smem:$0x3FDB];
	_ =	sdelay $0x1  }
0x9a: {  	s5 =	simm.s32 $_scs_section_size  }
0x9b: {  	s6 =	simm.s32 $_size__tile_overlayer_lowered;
	s7 =	simm.s32 $_tile_overlayer_lowered  }
0x9c: {  	s22 =	simm.s32 $0x1BFF;
	s21 =	sshll.u32 s7, $0x1;
	s4 =	sadd.s32 s5, s19  }
0x9d: {  	s8 =	simm.s32 $0x0;
	s20 =	sshll.u32 s6, $0x1;
	s6 =	sadd.s32 s21, s4  }
0x9e: {  	[timem:s8], [sflag:s22] =	dma.local [hbm:s6], s20  }
0x9f: {  	_ =	swait.ge [sflag:s22], s20  }
0xa0: {  	s5 =	ssub.s32 $0x0, s20;
	[sflag:s22] =	ssyncset.done $0x0  }
0xa1: {  	[sflag:s22] =	ssyncadd.s32 s5;
	_ =	sdelay $0x1  }
0xa2: {  	s23 =	simm.s32 $0x1B8B  }
0xa3: {  	_ =	swait.ge [sflag:s23], $0x1  }
0xa4: {  	[sflag:s23] =	ssyncset.done $0x0  }
0xa5: {  	s25 =	simm.s32 $0x1B8E;
	s24 =	sld [smem:$0x3FFE];
	[sflag:s23] =	ssyncadd.s32 $0xFFFFFFFF  }
0xa6: {  	s26 =	simm.s32 $execute0_lowered;
	[smem:$0x3FD2] =	sst s25  }
0xa7: {  	s6 =	sshll.u32 s26, $0x1;
	_ =	strace $0x80000049;
	[dreg:$0x1] =	wrdreg $0xFFFFFFFF  }
0xa8: {  	s28 =	simm.s32 $_size_execute0_lowered;
	s4 =	sadd.s32 s4, s6;
	[dreg:$0x0] =	wrdreg $0x0  }
0xa9: {  	s6 =	sshll.u32 s28, $0x1;
	[dreg:$0x2] =	wrdreg s4  }
0xaa: {  	[dreg:$0x3] =	wrdreg s6  }
0xab: {  	[dreg:$0x4] =	wrdreg $0xC0  }
0xac: {  	_ =	task [dreg:s8], $0x5FFFF  }
0xad: {  	[dreg:$0x1] =	wrdreg $0xFFFFFFFF  }
0xae: {  	[dreg:$0x0] =	wrdreg $0x60  }
0xaf: {  	[dreg:$0x2] =	wrdreg s2  }
0xb0: {  	[dreg:$0x3] =	wrdreg s18  }
0xb1: {  	[dreg:$0x4] =	wrdreg s24  }
0xb2: {  	[dreg:$0x5] =	wrdreg $0x9  }
0xb3: {  	_ =	task.clear_ibuf [dreg:s8], $0x6FFFF;
	_ =	strace $0x90000049  }
0xb4: {  	s29 =	simm.s32 $0x9;
	_ =	strace $0x8000004B  }
0xb5: {  	_ =	swait.ge [sflag:s29], $0x1  }
0xb6: {  	[sflag:s29] =	ssyncadd.s32 $0xFFFFFFFF  }
0xb7: {  	_ =	strace $0x9000004B  }
0xb8: {  	_ =	sfence  }
0xb9: {  	s30 =	sld [smem:$0x0];
	_ =	sdelay $0x2  }
0xba: {  	s31 =	sshll.u32 s1, $0xD;
	s1 =	sshrl.u32 s1, $0x2  }
0xbb: {  	s3 =	sand.u32 $0x4000, s31;
	s1 =	sadd.s32 s1, s30  }
0xbc: {  	s0 =	sor.u32 s3, s0;
	s1 =	sshll.u32 s1, $0x11  }
0xbd: {  	s0 =	sor.u32 s1, s0  }
0xbe: {  	s0 =	sadd.s32 $0x8F2B, s0  }
0xbf: {  	[sflag:s0] =	ssyncadd.remote.s32 $0x1  }
0xc0: {  	_ =	sfence.sel $0xFFFF  }
0xc1: {  	[dreg:$0x0] =	wrdreg $0xFFFFFFFF;
	(pc) =	sbr.abs _section_cstart, $3  }
0xc2: {  	[dreg:$0x1] =	wrdreg $0xFFFFFFFF  }
0xc3: {  	_ =	task.clear_ibuf [dreg:s8], $0x2FFFF;
	_ =	strace $0x9FFFFFFF  }
0xc4: {  	(tm) =	ssettm $0x7FFFFFFF  }
0xc5: {  	_ =	shalt  }
tec
execute0_lowered:
.L_overlay_start_1:
0x0: {  	(tag) =	ssettag $0x1  }
0x1: {  	s1 =	rddreg [dreg:$0x0];
	s2 =	srdreg.scid  }
0x2: {  	s4 =	rddreg [dreg:$0x1];
	s0 =	stileid.u32  }
0x3: {  	s8 =	rddreg [dreg:$0x2];
	s3 =	simm.s32 $0x0;
	s6 =	sand.u32 $0x1, s2  }
0x4: {  	s5 =	sshll.u32 s0, $0x9;
	s2 =	rddreg [dreg:$0x3];
	s7 =	sshll.u32 s6, $0x8  }
0x5: {  	[smem:$0x7FF] =	sst s3;
	s9 =	sor.u32 s7, s5  }
0x6: {  	_ =	strace $0x8000004A;
	s10 =	ssub.s32 $0x2, s6;
	s5 =	sshrl.u32 s9, $0x3  }
0x7: {  	s6 =	simm.s32 $0x100;
	s5 =	sadd.s32 s4, s5;
	s4 =	simm.s32 $0x2  }
0x8: {  	[tilespmem:s3], [sflag:$0x2] =	stream.linear.gather [hbm4b:s5+s3], $0x100, $0x38;
	[tilespmem:$0x8100] =	vst v63  }
0x9: {  	s7 =	simm.s32 $0x1;
	s11 =	sshrl.u32 s10, $0x1;
	_ =	swait.ge [sflag:s4], $0x100  }
0xa: {  	s9 =	sshll.u32 s9, $0x4;
	s31 =	ssub.s32 s10, s11;
	[sflag:s4] =	ssyncset.done $0x0  }
0xb: {  	s8 =	sadd.s32 s9, s8;
	s9 =	smax.u32 s31, $0x1;
	[sflag:s4] =	ssyncadd.s32 $0xFFFFFF00  }
0xc: {  	[tilespmem:s6], [sflag:$0x1] =	stream.indirect.gather [hbm4b:s1+s6], $0x80, s3, s6, $0xb8;
	[tilespmem:$0x8100] =	vst v63  }
0xd: {  	p0 =	sne.s32 s9, $0x1;
	_ =	swait.ge [sflag:s7], $0x8000  }
.Ltmp0:
0xe: {  	[sflag:s7] =	ssyncset.done $0x0;
	(pc) =	sbr.rel @!p0 .LBB2_2-.Ltmp0, $4  }
0xf: {  	s8 =	sadd.s32 $0x1000, s8;
	[sflag:s7] =	ssyncadd.s32 $0xFFFF8000  }
0x10: {  	[hbm4b:s8+s3] =	stream.linear.scatter [tilespmem:s6], [sflag:$0x2], $0x8000, $0x38;
	[tilespmem:$0x8100] =	vst v63  }
0x11: {  	_ =	swait.ge [sflag:s4], $0x8000  }
0x12: {  	s9 =	sadd.s32 $0xFFFFFFFF, s9;
	[sflag:s4] =	ssyncset.done $0x0  }
.LBB2_1:
0x13: {  	p0 =	sne.s32 s9, $0x1;
	s9 =	sadd.s32 $0xFFFFFFFF, s9;
	[sflag:s4] =	ssyncadd.s32 $0xFFFF8000  }
0x14: {  	[tilespmem:s3], [sflag:$0x2] =	stream.linear.gather [hbm4b:s5+s3], $0x100, $0x38;
	[tilespmem:$0x8100] =	vst v63  }
0x15: {  	_ =	swait.ge [sflag:s4], $0x100  }
0x16: {  	[sflag:s4] =	ssyncset.done $0x0  }
0x17: {  	[sflag:s4] =	ssyncadd.s32 $0xFFFFFF00  }
0x18: {  	[tilespmem:s6], [sflag:$0x1] =	stream.indirect.gather [hbm4b:s1+s6], $0x80, s3, s6, $0xb8;
	[tilespmem:$0x8100] =	vst v63  }
0x19: {  	_ =	swait.ge [sflag:s7], $0x8000  }
.Ltmp1:
0x1a: {  	[sflag:s7] =	ssyncset.done $0x0;
	(pc) =	sbr.rel @p0 .LBB2_1-.Ltmp1, $4  }
0x1b: {  	[sflag:s7] =	ssyncadd.s32 $0xFFFF8000  }
0x1c: {  	[hbm4b:s8+s3] =	stream.linear.scatter [tilespmem:s6], [sflag:$0x2], $0x8000, $0x38;
	[tilespmem:$0x8100] =	vst v63  }
0x1d: {  	_ =	swait.ge [sflag:s4], $0x8000  }
0x1e: {  	[sflag:s4] =	ssyncset.done $0x0  }
.LBB2_2:
0x1f: {  	[sflag:s4] =	ssyncadd.s32 $0xFFFF8000  }
0x20: {  	_ =	sfence.sel $0x180000  }
0x21: {  	[bflag:$0x0] =	sbarrier.arrive $0xFFFF  }
0x22: {  	p0 =	sne.s32 s0, $0x0;
	_ =	strace $0x9000004A  }
0x23: {  	s0 =	sadd.s32 @!p0 $0x100000, s2;
	[bflag:$0x2] =	sbarrier.arrive $0xFFFF  }
0x24: {  	[sflag:s0] =	ssyncadd.tile.s32 @!p0 $0x1;
	_ =	shalt  }
.Lfunc_end2:
_tile_overlayer_lowered:
.L_overlay_start_2:
0x25: {  	(tag) =	ssettag $0x2  }
0x26: {  	s0 =	rddreg [dreg:$0x0];
	s2 =	stileid.u32  }
0x27: {  	s1 =	rddreg [dreg:$0x1];
	p0 =	sne.s32 s2, $0x0  }
0x28: {  	s3 =	rddreg [dreg:$0x2];
	[bflag:$0x3] =	sbarrier.arrive $0xFFFF;
	s2 =	simm.s32 @!p0 $0x1C02  }
0x29: {  	[timem:s3], [sflag:s2] =	dma.local @!p0 [hbm:s0], s1  }
0x2a: {  	s0 =	simm.s32 @!p0 $0x2  }
0x2b: {  	_ =	swait.ge @!p0 [sflag:s0], s1  }
0x2c: {  	s1 =	ssub.s32 @!p0 $0x0, s1;
	[sflag:s0] =	ssyncset.done @!p0 $0x0  }
0x2d: {  	[sflag:s0] =	ssyncadd.s32 @!p0 s1  }
0x2e: {  	[bflag:$0x3] =	sbarrier.arrive $0xFFFF  }
0x2f: {  	_ =	shalt  }

</sc_bundles>
